<compile_context>
chip_gen: v7x
topology: tpu7x:2x2x1
jax: 0.10.2.dev20260603
libtpu: 0.0.44.dev20260713+nightly
codegen_flags: <defaults>
</compile_context>

<pallas_src>
import jax
import jax.numpy as jnp
from jax import lax
from jax.experimental import pallas as pl
from jax.experimental.pallas import tpu as pltpu
from jax.experimental.pallas import tpu_sc as plsc

VOCAB = 100000
EMBED = 128
B = 4096
L = 200

_NC = 2
_NS = 16
_NW = _NC * _NS
_N = B * L
_PER_W = _N // _NW
_CHUNK = 128
_NCHUNK = _PER_W // _CHUNK
_NBUF = 4
_MBUF = 2


def _emb_body(table_hbm, idx_hbm, out_hbm, idx_v, rows_v, rows_sh,
              sem_g, sem_x, sem_w):
    cid = lax.axis_index("c")
    sid = lax.axis_index("s")
    wid = sid * _NC + cid
    base = wid * _PER_W
    pltpu.sync_copy(idx_hbm.at[wid], idx_v)

    def gather(g, b):
        return pltpu.async_copy(table_hbm.at[idx_v.at[g]], rows_v.at[b],
                                sem_g.at[b])

    def xbar(b, m):
        return pltpu.async_copy(rows_v.at[b], rows_sh.at[sid].at[m],
                                sem_x.at[m])

    def dma(g, m):
        return pltpu.async_copy(rows_sh.at[sid].at[m],
                                out_hbm.at[pl.ds(base + g * _CHUNK, _CHUNK)],
                                sem_w.at[m])

    def wait_gather(b):
        pltpu.make_async_copy(table_hbm.at[idx_v.at[0]], rows_v.at[b],
                              sem_g.at[b]).wait()

    def wait_xbar(m):
        pltpu.make_async_copy(rows_v.at[0], rows_sh.at[sid].at[m],
                              sem_x.at[m]).wait()

    def wait_dma(m):
        pltpu.make_async_copy(rows_sh.at[sid].at[0],
                              out_hbm.at[pl.ds(base, _CHUNK)],
                              sem_w.at[m]).wait()

    gather(0, 0)
    gather(1, 1)
    gather(2, 2)

    def step(t, carry):
        g0 = _NBUF * t
        for j in range(_NBUF):
            g = g0 + j
            wait_gather(j)
            m = j % _MBUF

            @pl.when(g >= _MBUF)
            def _(m=m):
                wait_dma(m)

            xbar(j, m)
            m1 = (m + _MBUF - 1) % _MBUF

            @pl.when(g >= 1)
            def _(g=g, m1=m1):
                wait_xbar(m1)
                dma(g - 1, m1)

            b3 = (j + 3) % _NBUF

            @pl.when(g + 3 < _NCHUNK)
            def _(g=g, b3=b3):
                gather(g + 3, b3)

        return carry

    lax.fori_loop(0, _NCHUNK // _NBUF, step, 0, unroll=False)
    wait_xbar((_NCHUNK - 1) % _MBUF)
    dma(_NCHUNK - 1, (_NCHUNK - 1) % _MBUF)
    for m in range(_MBUF):
        wait_dma(m)


@jax.jit
def kernel(x, table):
    idx = x.reshape(_NW, _NCHUNK, _CHUNK).astype(jnp.int32)
    mesh = plsc.VectorSubcoreMesh(core_axis_name="c", subcore_axis_name="s")
    out = pl.kernel(
        _emb_body,
        out_type=jax.ShapeDtypeStruct((_N, EMBED), jnp.float32),
        mesh=mesh,
        scratch_types=[
            pltpu.VMEM((_NCHUNK, _CHUNK), jnp.int32),
            pltpu.VMEM((_NBUF, _CHUNK, EMBED), jnp.float32),
            pltpu.VMEM_SHARED((_NS, _MBUF, _CHUNK, EMBED), jnp.float32),
            pltpu.SemaphoreType.DMA((_NBUF,)),
            pltpu.SemaphoreType.DMA((_MBUF,)),
            pltpu.SemaphoreType.DMA((_MBUF,)),
        ],
    )(table, idx)
    return out.reshape(B, L, EMBED)

# --- scband reference (transcript-rebuilt; emitter-appended) ---
"""Pipeline reference for scband-word-embedding-29360396435976 (READ-ONLY COPY).

The authoritative reference and input builder live on the scoring server;
editing this copy changes nothing except your own understanding.
"""

import jax, jax.numpy as jnp
import numpy as np

VOCAB = 100000
EMBED = 128
B = 4096
L = 200

def setup_inputs(seed: int = 0) -> dict:
    key = jax.random.key(seed)
    k1, k2 = jax.random.split(key)
    x = jax.random.randint(k1, (B, L), 0, VOCAB, dtype=jnp.int64 if jax.config.jax_enable_x64 else jnp.int32)
    table = jax.random.normal(k2, (VOCAB, EMBED), dtype=jnp.float32)
    return {"x": x, "table": table}

def reference(x, table):
    # WordEmbedding.forward: nn.Embedding lookup
    return jnp.take(table, x, axis=0)

if __name__ == "__main__":
    import jax
    _d = setup_inputs()
    print(jax.jit(kernel)(*tuple(_d.values())))

</pallas_src>

<mosaic_0001>
#map = affine_map<(d0, d1) -> (0, 0)>
#map1 = affine_map<(d0, d1) -> (0, 0, 0)>
module attributes {stable_mosaic.version = 14 : i64} {
  func.func @_emb_body(%arg0: i32, %arg1: i32, %arg2: memref<100000x128xf32, #tpu.memory_space<hbm>>, %arg3: memref<32x200x128xi32, #tpu.memory_space<hbm>>, %arg4: memref<819200x128xf32, #tpu.memory_space<hbm>>, %arg5: memref<200x128xi32, #tpu.memory_space<vmem>>, %arg6: memref<4x128x128xf32, #tpu.memory_space<vmem>>, %arg7: memref<16x2x128x128xf32, #tpu.memory_space<vmem_shared>>, %arg8: memref<4x!tpu.dma_semaphore, #tpu.memory_space<semaphore_mem>>, %arg9: memref<2x!tpu.dma_semaphore, #tpu.memory_space<semaphore_mem>>, %arg10: memref<2x!tpu.dma_semaphore, #tpu.memory_space<semaphore_mem>>) attributes {dimension_semantics = [#tpu.dimension_semantics<core_parallel>, #tpu.dimension_semantics<subcore_parallel>], iteration_bounds = array<i64: 2, 16>, scalar_prefetch = 0 : i64, scratch_operands = 6 : i64, tpu.core_type = #tpu.core_type<sc_vector_subcore>, window_params = [{transform_indices = #map}, {transform_indices = #map1}, {transform_indices = #map}]} {
    %mul3A = arith.constant 2 : i32
    %mul3A_0 = arith.muli %arg1, %mul3A : i32
    %add3A = arith.addi %mul3A_0, %arg0 : i32
    %mul3A_1 = arith.constant 25600 : i32
    %mul3A_2 = arith.muli %add3A, %mul3A_1 : i32
    "tpu.region"() ({
      %run_scoped3A = tpu.sem_alloc : memref<!tpu.dma_semaphore, #tpu.memory_space<semaphore_mem>>
      %dma_start3A_129 = arith.constant 0 : i32
      %dma_start3A_130 = arith.constant 0 : i32
      %dma_start3A_131 = tpu.memref_slice %arg3[%add3A, %dma_start3A_129, %dma_start3A_130] : memref<32x200x128xi32, #tpu.memory_space<hbm>> -> memref<1x200x128xi32, #tpu.memory_space<hbm>>
      %dma_start3A_132 = tpu.memref_squeeze %dma_start3A_131 : memref<1x200x128xi32, #tpu.memory_space<hbm>> -> memref<200x128xi32, #tpu.memory_space<hbm>>
      %dma_start3A_133 = arith.constant 0 : i32
      %dma_start3A_134 = arith.constant 0 : i32
      %dma_start3A_135 = tpu.memref_slice %arg3[%add3A, %dma_start3A_133, %dma_start3A_134] : memref<32x200x128xi32, #tpu.memory_space<hbm>> -> memref<1x200x128xi32, #tpu.memory_space<hbm>>
      %dma_start3A_136 = tpu.memref_squeeze %dma_start3A_135 : memref<1x200x128xi32, #tpu.memory_space<hbm>> -> memref<200x128xi32, #tpu.memory_space<hbm>>
      tpu.enqueue_dma source(%dma_start3A_136 : memref<200x128xi32, #tpu.memory_space<hbm>>) target(%arg5 : memref<200x128xi32, #tpu.memory_space<vmem>>) target_semaphore(%run_scoped3A : memref<!tpu.dma_semaphore, #tpu.memory_space<semaphore_mem>>)
      %dma_wait3A_137 = arith.constant 0 : i32
      %dma_wait3A_138 = arith.constant 0 : i32
      %dma_wait3A_139 = tpu.memref_slice %arg3[%add3A, %dma_wait3A_137, %dma_wait3A_138] : memref<32x200x128xi32, #tpu.memory_space<hbm>> -> memref<1x200x128xi32, #tpu.memory_space<hbm>>
      %dma_wait3A_140 = tpu.memref_squeeze %dma_wait3A_139 : memref<1x200x128xi32, #tpu.memory_space<hbm>> -> memref<200x128xi32, #tpu.memory_space<hbm>>
      %dma_wait3A_141 = arith.constant 0 : i32
      %dma_wait3A_142 = arith.constant 0 : i32
      %dma_wait3A_143 = tpu.memref_slice %arg3[%add3A, %dma_wait3A_141, %dma_wait3A_142] : memref<32x200x128xi32, #tpu.memory_space<hbm>> -> memref<1x200x128xi32, #tpu.memory_space<hbm>>
      %dma_wait3A_144 = tpu.memref_squeeze %dma_wait3A_143 : memref<1x200x128xi32, #tpu.memory_space<hbm>> -> memref<200x128xi32, #tpu.memory_space<hbm>>
      tpu.wait_dma2 semaphore(%run_scoped3A : memref<!tpu.dma_semaphore, #tpu.memory_space<semaphore_mem>>) src(%dma_wait3A_144 : memref<200x128xi32, #tpu.memory_space<hbm>>) dst(%arg5 : memref<200x128xi32, #tpu.memory_space<vmem>>)
      tpu.yield
    }) : () -> ()
    %dma_start3A = arith.constant 0 : i32
    %dma_start3A_3 = arith.constant 0 : i32
    %dma_start3A_4 = arith.constant 0 : i32
    %dma_start3A_5 = arith.constant 0 : i32
    %dma_start3A_6 = arith.constant 0 : i32
    %dma_start3A_7 = tpu.memref_slice %arg6[%dma_start3A_3, %dma_start3A_5, %dma_start3A_6] : memref<4x128x128xf32, #tpu.memory_space<vmem>> -> memref<1x128x128xf32, #tpu.memory_space<vmem>>
    %dma_start3A_8 = tpu.memref_squeeze %dma_start3A_7 : memref<1x128x128xf32, #tpu.memory_space<vmem>> -> memref<128x128xf32, #tpu.memory_space<vmem>>
    %dma_start3A_9 = arith.constant 0 : i32
    %dma_start3A_10 = tpu.memref_slice %arg5[%dma_start3A, %dma_start3A_9] : memref<200x128xi32, #tpu.memory_space<vmem>> -> memref<1x128xi32, #tpu.memory_space<vmem>>
    %dma_start3A_11 = tpu.memref_squeeze %dma_start3A_10 : memref<1x128xi32, #tpu.memory_space<vmem>> -> memref<128xi32, #tpu.memory_space<vmem>>
    %dma_start3A_12 = arith.constant 0 : i32
    %dma_start3A_13 = arith.constant 0 : i32
    %dma_start3A_14 = tpu.memref_slice %arg2[%dma_start3A_12, %dma_start3A_13] : memref<100000x128xf32, #tpu.memory_space<hbm>> -> memref<100000x128xf32, #tpu.memory_space<hbm>>
    %dma_start3A_15 = tpu.memref_slice %arg8[%dma_start3A_4] : memref<4x!tpu.dma_semaphore, #tpu.memory_space<semaphore_mem>> -> memref<1x!tpu.dma_semaphore, #tpu.memory_space<semaphore_mem>>
    %dma_start3A_16 = tpu.memref_squeeze %dma_start3A_15 : memref<1x!tpu.dma_semaphore, #tpu.memory_space<semaphore_mem>> -> memref<!tpu.dma_semaphore, #tpu.memory_space<semaphore_mem>>
    tpu.enqueue_indirect_dma source(%dma_start3A_14 : memref<100000x128xf32, #tpu.memory_space<hbm>>) target(%dma_start3A_8 : memref<128x128xf32, #tpu.memory_space<vmem>>) offsets(%dma_start3A_11 : memref<128xi32, #tpu.memory_space<vmem>>) semaphore(%dma_start3A_16 : memref<!tpu.dma_semaphore, #tpu.memory_space<semaphore_mem>>)
    %dma_start3A_17 = arith.constant 1 : i32
    %dma_start3A_18 = arith.constant 1 : i32
    %dma_start3A_19 = arith.constant 1 : i32
    %dma_start3A_20 = arith.constant 0 : i32
    %dma_start3A_21 = arith.constant 0 : i32
    %dma_start3A_22 = tpu.memref_slice %arg6[%dma_start3A_18, %dma_start3A_20, %dma_start3A_21] : memref<4x128x128xf32, #tpu.memory_space<vmem>> -> memref<1x128x128xf32, #tpu.memory_space<vmem>>
    %dma_start3A_23 = tpu.memref_squeeze %dma_start3A_22 : memref<1x128x128xf32, #tpu.memory_space<vmem>> -> memref<128x128xf32, #tpu.memory_space<vmem>>
    %dma_start3A_24 = arith.constant 0 : i32
    %dma_start3A_25 = tpu.memref_slice %arg5[%dma_start3A_17, %dma_start3A_24] : memref<200x128xi32, #tpu.memory_space<vmem>> -> memref<1x128xi32, #tpu.memory_space<vmem>>
    %dma_start3A_26 = tpu.memref_squeeze %dma_start3A_25 : memref<1x128xi32, #tpu.memory_space<vmem>> -> memref<128xi32, #tpu.memory_space<vmem>>
    %dma_start3A_27 = arith.constant 0 : i32
    %dma_start3A_28 = arith.constant 0 : i32
    %dma_start3A_29 = tpu.memref_slice %arg2[%dma_start3A_27, %dma_start3A_28] : memref<100000x128xf32, #tpu.memory_space<hbm>> -> memref<100000x128xf32, #tpu.memory_space<hbm>>
    %dma_start3A_30 = tpu.memref_slice %arg8[%dma_start3A_19] : memref<4x!tpu.dma_semaphore, #tpu.memory_space<semaphore_mem>> -> memref<1x!tpu.dma_semaphore, #tpu.memory_space<semaphore_mem>>
    %dma_start3A_31 = tpu.memref_squeeze %dma_start3A_30 : memref<1x!tpu.dma_semaphore, #tpu.memory_space<semaphore_mem>> -> memref<!tpu.dma_semaphore, #tpu.memory_space<semaphore_mem>>
    tpu.enqueue_indirect_dma source(%dma_start3A_29 : memref<100000x128xf32, #tpu.memory_space<hbm>>) target(%dma_start3A_23 : memref<128x128xf32, #tpu.memory_space<vmem>>) offsets(%dma_start3A_26 : memref<128xi32, #tpu.memory_space<vmem>>) semaphore(%dma_start3A_31 : memref<!tpu.dma_semaphore, #tpu.memory_space<semaphore_mem>>)
    %dma_start3A_32 = arith.constant 2 : i32
    %dma_start3A_33 = arith.constant 2 : i32
    %dma_start3A_34 = arith.constant 2 : i32
    %dma_start3A_35 = arith.constant 0 : i32
    %dma_start3A_36 = arith.constant 0 : i32
    %dma_start3A_37 = tpu.memref_slice %arg6[%dma_start3A_33, %dma_start3A_35, %dma_start3A_36] : memref<4x128x128xf32, #tpu.memory_space<vmem>> -> memref<1x128x128xf32, #tpu.memory_space<vmem>>
    %dma_start3A_38 = tpu.memref_squeeze %dma_start3A_37 : memref<1x128x128xf32, #tpu.memory_space<vmem>> -> memref<128x128xf32, #tpu.memory_space<vmem>>
    %dma_start3A_39 = arith.constant 0 : i32
    %dma_start3A_40 = tpu.memref_slice %arg5[%dma_start3A_32, %dma_start3A_39] : memref<200x128xi32, #tpu.memory_space<vmem>> -> memref<1x128xi32, #tpu.memory_space<vmem>>
    %dma_start3A_41 = tpu.memref_squeeze %dma_start3A_40 : memref<1x128xi32, #tpu.memory_space<vmem>> -> memref<128xi32, #tpu.memory_space<vmem>>
    %dma_start3A_42 = arith.constant 0 : i32
    %dma_start3A_43 = arith.constant 0 : i32
    %dma_start3A_44 = tpu.memref_slice %arg2[%dma_start3A_42, %dma_start3A_43] : memref<100000x128xf32, #tpu.memory_space<hbm>> -> memref<100000x128xf32, #tpu.memory_space<hbm>>
    %dma_start3A_45 = tpu.memref_slice %arg8[%dma_start3A_34] : memref<4x!tpu.dma_semaphore, #tpu.memory_space<semaphore_mem>> -> memref<1x!tpu.dma_semaphore, #tpu.memory_space<semaphore_mem>>
    %dma_start3A_46 = tpu.memref_squeeze %dma_start3A_45 : memref<1x!tpu.dma_semaphore, #tpu.memory_space<semaphore_mem>> -> memref<!tpu.dma_semaphore, #tpu.memory_space<semaphore_mem>>
    tpu.enqueue_indirect_dma source(%dma_start3A_44 : memref<100000x128xf32, #tpu.memory_space<hbm>>) target(%dma_start3A_38 : memref<128x128xf32, #tpu.memory_space<vmem>>) offsets(%dma_start3A_41 : memref<128xi32, #tpu.memory_space<vmem>>) semaphore(%dma_start3A_46 : memref<!tpu.dma_semaphore, #tpu.memory_space<semaphore_mem>>)
    %scan3A = arith.constant 0 : i32
    %scan3A_47 = arith.constant 0 : i32
    %scan3A_48 = arith.constant 50 : i32
    %scan3A_49 = arith.addi %scan3A_47, %scan3A_48 : i32
    %scan3A_50 = arith.constant 1 : i32
    scf.for %scan3A_129 = %scan3A_47 to %scan3A_49 step %scan3A_50  : i32 {
      %mul3A_130 = arith.constant 4 : i32
      %mul3A_131 = arith.muli %mul3A_130, %scan3A_129 : i32
      %add3A_132 = arith.constant 0 : i32
      %add3A_133 = arith.addi %mul3A_131, %add3A_132 : i32
      %dma_wait3A_134 = arith.constant 0 : i32
      %dma_wait3A_135 = arith.constant 0 : i32
      %dma_wait3A_136 = arith.constant 0 : i32
      %dma_wait3A_137 = arith.constant 0 : i32
      %dma_wait3A_138 = arith.constant 0 : i32
      %dma_wait3A_139 = tpu.memref_slice %arg6[%dma_wait3A_135, %dma_wait3A_137, %dma_wait3A_138] : memref<4x128x128xf32, #tpu.memory_space<vmem>> -> memref<1x128x128xf32, #tpu.memory_space<vmem>>
      %dma_wait3A_140 = tpu.memref_squeeze %dma_wait3A_139 : memref<1x128x128xf32, #tpu.memory_space<vmem>> -> memref<128x128xf32, #tpu.memory_space<vmem>>
      %dma_wait3A_141 = arith.constant 0 : i32
      %dma_wait3A_142 = tpu.memref_slice %arg5[%dma_wait3A_134, %dma_wait3A_141] : memref<200x128xi32, #tpu.memory_space<vmem>> -> memref<1x128xi32, #tpu.memory_space<vmem>>
      %dma_wait3A_143 = tpu.memref_squeeze %dma_wait3A_142 : memref<1x128xi32, #tpu.memory_space<vmem>> -> memref<128xi32, #tpu.memory_space<vmem>>
      %dma_wait3A_144 = arith.constant 0 : i32
      %dma_wait3A_145 = arith.constant 0 : i32
      %dma_wait3A_146 = tpu.memref_slice %arg2[%dma_wait3A_144, %dma_wait3A_145] : memref<100000x128xf32, #tpu.memory_space<hbm>> -> memref<100000x128xf32, #tpu.memory_space<hbm>>
      %dma_wait3A_147 = tpu.memref_slice %arg8[%dma_wait3A_136] : memref<4x!tpu.dma_semaphore, #tpu.memory_space<semaphore_mem>> -> memref<1x!tpu.dma_semaphore, #tpu.memory_space<semaphore_mem>>
      %dma_wait3A_148 = tpu.memref_squeeze %dma_wait3A_147 : memref<1x!tpu.dma_semaphore, #tpu.memory_space<semaphore_mem>> -> memref<!tpu.dma_semaphore, #tpu.memory_space<semaphore_mem>>
      tpu.wait_indirect_dma semaphore(%dma_wait3A_148 : memref<!tpu.dma_semaphore, #tpu.memory_space<semaphore_mem>>) src(%dma_wait3A_146 : memref<100000x128xf32, #tpu.memory_space<hbm>>) dst(%dma_wait3A_140 : memref<128x128xf32, #tpu.memory_space<vmem>>)
      %ge3A = arith.constant 2 : i32
      %ge3A_149 = arith.cmpi sge, %add3A_133, %ge3A : i32
      %convert_element_type3A = arith.extui %ge3A_149 : i1 to i32
      %cond3A = arith.constant 0 : i32
      %cond3A_150 = arith.cmpi ne, %convert_element_type3A, %cond3A : i32
      scf.if %cond3A_150 {
        %dma_wait3A_388 = arith.constant 0 : i32
        %dma_wait3A_389 = arith.constant 0 : i32
        %dma_wait3A_390 = tpu.memref_slice %arg10[%dma_wait3A_389] : memref<2x!tpu.dma_semaphore, #tpu.memory_space<semaphore_mem>> -> memref<1x!tpu.dma_semaphore, #tpu.memory_space<semaphore_mem>>
        %dma_wait3A_391 = tpu.memref_squeeze %dma_wait3A_390 : memref<1x!tpu.dma_semaphore, #tpu.memory_space<semaphore_mem>> -> memref<!tpu.dma_semaphore, #tpu.memory_space<semaphore_mem>>
        %dma_wait3A_392 = arith.constant 0 : i32
        %dma_wait3A_393 = tpu.memref_slice %arg4[%mul3A_2, %dma_wait3A_392] : memref<819200x128xf32, #tpu.memory_space<hbm>> -> memref<128x128xf32, #tpu.memory_space<hbm>>
        %dma_wait3A_394 = arith.constant 0 : i32
        %dma_wait3A_395 = arith.constant 0 : i32
        %dma_wait3A_396 = arith.constant 0 : i32
        %dma_wait3A_397 = tpu.memref_slice %arg7[%arg1, %dma_wait3A_394, %dma_wait3A_395, %dma_wait3A_396] : memref<16x2x128x128xf32, #tpu.memory_space<vmem_shared>> -> memref<1x2x128x128xf32, #tpu.memory_space<vmem_shared>>
        %dma_wait3A_398 = tpu.memref_squeeze %dma_wait3A_397 : memref<1x2x128x128xf32, #tpu.memory_space<vmem_shared>> -> memref<2x128x128xf32, #tpu.memory_space<vmem_shared>>
        %dma_wait3A_399 = arith.constant 0 : i32
        %dma_wait3A_400 = arith.constant 0 : i32
        %dma_wait3A_401 = tpu.memref_slice %dma_wait3A_398[%dma_wait3A_388, %dma_wait3A_399, %dma_wait3A_400] : memref<2x128x128xf32, #tpu.memory_space<vmem_shared>> -> memref<1x128x128xf32, #tpu.memory_space<vmem_shared>>
        %dma_wait3A_402 = tpu.memref_squeeze %dma_wait3A_401 : memref<1x128x128xf32, #tpu.memory_space<vmem_shared>> -> memref<128x128xf32, #tpu.memory_space<vmem_shared>>
        tpu.wait_dma2 semaphore(%dma_wait3A_391 : memref<!tpu.dma_semaphore, #tpu.memory_space<semaphore_mem>>) src(%dma_wait3A_402 : memref<128x128xf32, #tpu.memory_space<vmem_shared>>) dst(%dma_wait3A_393 : memref<128x128xf32, #tpu.memory_space<hbm>>)
      } else {
      }
      %dma_start3A_151 = arith.constant 0 : i32
      %dma_start3A_152 = arith.constant 0 : i32
      %dma_start3A_153 = arith.constant 0 : i32
      %dma_start3A_154 = arith.constant 0 : i32
      %dma_start3A_155 = arith.constant 0 : i32
      %dma_start3A_156 = tpu.memref_slice %arg6[%dma_start3A_151, %dma_start3A_154, %dma_start3A_155] : memref<4x128x128xf32, #tpu.memory_space<vmem>> -> memref<1x128x128xf32, #tpu.memory_space<vmem>>
      %dma_start3A_157 = tpu.memref_squeeze %dma_start3A_156 : memref<1x128x128xf32, #tpu.memory_space<vmem>> -> memref<128x128xf32, #tpu.memory_space<vmem>>
      %dma_start3A_158 = arith.constant 0 : i32
      %dma_start3A_159 = arith.constant 0 : i32
      %dma_start3A_160 = arith.constant 0 : i32
      %dma_start3A_161 = tpu.memref_slice %arg7[%arg1, %dma_start3A_158, %dma_start3A_159, %dma_start3A_160] : memref<16x2x128x128xf32, #tpu.memory_space<vmem_shared>> -> memref<1x2x128x128xf32, #tpu.memory_space<vmem_shared>>
      %dma_start3A_162 = tpu.memref_squeeze %dma_start3A_161 : memref<1x2x128x128xf32, #tpu.memory_space<vmem_shared>> -> memref<2x128x128xf32, #tpu.memory_space<vmem_shared>>
      %dma_start3A_163 = arith.constant 0 : i32
      %dma_start3A_164 = arith.constant 0 : i32
      %dma_start3A_165 = tpu.memref_slice %dma_start3A_162[%dma_start3A_152, %dma_start3A_163, %dma_start3A_164] : memref<2x128x128xf32, #tpu.memory_space<vmem_shared>> -> memref<1x128x128xf32, #tpu.memory_space<vmem_shared>>
      %dma_start3A_166 = tpu.memref_squeeze %dma_start3A_165 : memref<1x128x128xf32, #tpu.memory_space<vmem_shared>> -> memref<128x128xf32, #tpu.memory_space<vmem_shared>>
      %dma_start3A_167 = tpu.memref_slice %arg9[%dma_start3A_153] : memref<2x!tpu.dma_semaphore, #tpu.memory_space<semaphore_mem>> -> memref<1x!tpu.dma_semaphore, #tpu.memory_space<semaphore_mem>>
      %dma_start3A_168 = tpu.memref_squeeze %dma_start3A_167 : memref<1x!tpu.dma_semaphore, #tpu.memory_space<semaphore_mem>> -> memref<!tpu.dma_semaphore, #tpu.memory_space<semaphore_mem>>
      %dma_start3A_169 = arith.constant 0 : i32
      %dma_start3A_170 = arith.constant 0 : i32
      %dma_start3A_171 = arith.constant 0 : i32
      %dma_start3A_172 = tpu.memref_slice %arg7[%arg1, %dma_start3A_169, %dma_start3A_170, %dma_start3A_171] : memref<16x2x128x128xf32, #tpu.memory_space<vmem_shared>> -> memref<1x2x128x128xf32, #tpu.memory_space<vmem_shared>>
      %dma_start3A_173 = tpu.memref_squeeze %dma_start3A_172 : memref<1x2x128x128xf32, #tpu.memory_space<vmem_shared>> -> memref<2x128x128xf32, #tpu.memory_space<vmem_shared>>
      %dma_start3A_174 = arith.constant 0 : i32
      %dma_start3A_175 = arith.constant 0 : i32
      %dma_start3A_176 = tpu.memref_slice %dma_start3A_173[%dma_start3A_152, %dma_start3A_174, %dma_start3A_175] : memref<2x128x128xf32, #tpu.memory_space<vmem_shared>> -> memref<1x128x128xf32, #tpu.memory_space<vmem_shared>>
      %dma_start3A_177 = tpu.memref_squeeze %dma_start3A_176 : memref<1x128x128xf32, #tpu.memory_space<vmem_shared>> -> memref<128x128xf32, #tpu.memory_space<vmem_shared>>
      %dma_start3A_178 = arith.constant 0 : i32
      %dma_start3A_179 = arith.constant 0 : i32
      %dma_start3A_180 = tpu.memref_slice %arg6[%dma_start3A_151, %dma_start3A_178, %dma_start3A_179] : memref<4x128x128xf32, #tpu.memory_space<vmem>> -> memref<1x128x128xf32, #tpu.memory_space<vmem>>
      %dma_start3A_181 = tpu.memref_squeeze %dma_start3A_180 : memref<1x128x128xf32, #tpu.memory_space<vmem>> -> memref<128x128xf32, #tpu.memory_space<vmem>>
      tpu.enqueue_dma source(%dma_start3A_181 : memref<128x128xf32, #tpu.memory_space<vmem>>) target(%dma_start3A_177 : memref<128x128xf32, #tpu.memory_space<vmem_shared>>) target_semaphore(%dma_start3A_168 : memref<!tpu.dma_semaphore, #tpu.memory_space<semaphore_mem>>)
      %ge3A_182 = arith.constant 1 : i32
      %ge3A_183 = arith.cmpi sge, %add3A_133, %ge3A_182 : i32
      %convert_element_type3A_184 = arith.extui %ge3A_183 : i1 to i32
      %cond3A_185 = arith.constant 0 : i32
      %cond3A_186 = arith.cmpi ne, %convert_element_type3A_184, %cond3A_185 : i32
      scf.if %cond3A_186 {
        %dma_wait3A_388 = arith.constant 0 : i32
        %dma_wait3A_389 = arith.constant 1 : i32
        %dma_wait3A_390 = arith.constant 1 : i32
        %dma_wait3A_391 = arith.constant 0 : i32
        %dma_wait3A_392 = arith.constant 0 : i32
        %dma_wait3A_393 = tpu.memref_slice %arg6[%dma_wait3A_388, %dma_wait3A_391, %dma_wait3A_392] : memref<4x128x128xf32, #tpu.memory_space<vmem>> -> memref<1x128x128xf32, #tpu.memory_space<vmem>>
        %dma_wait3A_394 = tpu.memref_squeeze %dma_wait3A_393 : memref<1x128x128xf32, #tpu.memory_space<vmem>> -> memref<128x128xf32, #tpu.memory_space<vmem>>
        %dma_wait3A_395 = arith.constant 0 : i32
        %dma_wait3A_396 = arith.constant 0 : i32
        %dma_wait3A_397 = arith.constant 0 : i32
        %dma_wait3A_398 = tpu.memref_slice %arg7[%arg1, %dma_wait3A_395, %dma_wait3A_396, %dma_wait3A_397] : memref<16x2x128x128xf32, #tpu.memory_space<vmem_shared>> -> memref<1x2x128x128xf32, #tpu.memory_space<vmem_shared>>
        %dma_wait3A_399 = tpu.memref_squeeze %dma_wait3A_398 : memref<1x2x128x128xf32, #tpu.memory_space<vmem_shared>> -> memref<2x128x128xf32, #tpu.memory_space<vmem_shared>>
        %dma_wait3A_400 = arith.constant 0 : i32
        %dma_wait3A_401 = arith.constant 0 : i32
        %dma_wait3A_402 = tpu.memref_slice %dma_wait3A_399[%dma_wait3A_389, %dma_wait3A_400, %dma_wait3A_401] : memref<2x128x128xf32, #tpu.memory_space<vmem_shared>> -> memref<1x128x128xf32, #tpu.memory_space<vmem_shared>>
        %dma_wait3A_403 = tpu.memref_squeeze %dma_wait3A_402 : memref<1x128x128xf32, #tpu.memory_space<vmem_shared>> -> memref<128x128xf32, #tpu.memory_space<vmem_shared>>
        %dma_wait3A_404 = tpu.memref_slice %arg9[%dma_wait3A_390] : memref<2x!tpu.dma_semaphore, #tpu.memory_space<semaphore_mem>> -> memref<1x!tpu.dma_semaphore, #tpu.memory_space<semaphore_mem>>
        %dma_wait3A_405 = tpu.memref_squeeze %dma_wait3A_404 : memref<1x!tpu.dma_semaphore, #tpu.memory_space<semaphore_mem>> -> memref<!tpu.dma_semaphore, #tpu.memory_space<semaphore_mem>>
        %dma_wait3A_406 = arith.constant 0 : i32
        %dma_wait3A_407 = arith.constant 0 : i32
        %dma_wait3A_408 = arith.constant 0 : i32
        %dma_wait3A_409 = tpu.memref_slice %arg7[%arg1, %dma_wait3A_406, %dma_wait3A_407, %dma_wait3A_408] : memref<16x2x128x128xf32, #tpu.memory_space<vmem_shared>> -> memref<1x2x128x128xf32, #tpu.memory_space<vmem_shared>>
        %dma_wait3A_410 = tpu.memref_squeeze %dma_wait3A_409 : memref<1x2x128x128xf32, #tpu.memory_space<vmem_shared>> -> memref<2x128x128xf32, #tpu.memory_space<vmem_shared>>
        %dma_wait3A_411 = arith.constant 0 : i32
        %dma_wait3A_412 = arith.constant 0 : i32
        %dma_wait3A_413 = tpu.memref_slice %dma_wait3A_410[%dma_wait3A_389, %dma_wait3A_411, %dma_wait3A_412] : memref<2x128x128xf32, #tpu.memory_space<vmem_shared>> -> memref<1x128x128xf32, #tpu.memory_space<vmem_shared>>
        %dma_wait3A_414 = tpu.memref_squeeze %dma_wait3A_413 : memref<1x128x128xf32, #tpu.memory_space<vmem_shared>> -> memref<128x128xf32, #tpu.memory_space<vmem_shared>>
        %dma_wait3A_415 = arith.constant 0 : i32
        %dma_wait3A_416 = arith.constant 0 : i32
        %dma_wait3A_417 = tpu.memref_slice %arg6[%dma_wait3A_388, %dma_wait3A_415, %dma_wait3A_416] : memref<4x128x128xf32, #tpu.memory_space<vmem>> -> memref<1x128x128xf32, #tpu.memory_space<vmem>>
        %dma_wait3A_418 = tpu.memref_squeeze %dma_wait3A_417 : memref<1x128x128xf32, #tpu.memory_space<vmem>> -> memref<128x128xf32, #tpu.memory_space<vmem>>
        tpu.wait_dma2 semaphore(%dma_wait3A_405 : memref<!tpu.dma_semaphore, #tpu.memory_space<semaphore_mem>>) src(%dma_wait3A_418 : memref<128x128xf32, #tpu.memory_space<vmem>>) dst(%dma_wait3A_414 : memref<128x128xf32, #tpu.memory_space<vmem_shared>>)
        %sub3A = arith.constant 1 : i32
        %sub3A_419 = arith.subi %add3A_133, %sub3A : i32
        %mul3A_420 = arith.constant 128 : i32
        %mul3A_421 = arith.muli %sub3A_419, %mul3A_420 : i32
        %add3A_422 = arith.addi %mul3A_2, %mul3A_421 : i32
        %dma_start3A_423 = arith.constant 1 : i32
        %dma_start3A_424 = arith.constant 1 : i32
        %dma_start3A_425 = tpu.memref_slice %arg10[%dma_start3A_424] : memref<2x!tpu.dma_semaphore, #tpu.memory_space<semaphore_mem>> -> memref<1x!tpu.dma_semaphore, #tpu.memory_space<semaphore_mem>>
        %dma_start3A_426 = tpu.memref_squeeze %dma_start3A_425 : memref<1x!tpu.dma_semaphore, #tpu.memory_space<semaphore_mem>> -> memref<!tpu.dma_semaphore, #tpu.memory_space<semaphore_mem>>
        %dma_start3A_427 = arith.constant 0 : i32
        %dma_start3A_428 = tpu.memref_slice %arg4[%add3A_422, %dma_start3A_427] : memref<819200x128xf32, #tpu.memory_space<hbm>> -> memref<128x128xf32, #tpu.memory_space<hbm>>
        %dma_start3A_429 = arith.constant 0 : i32
        %dma_start3A_430 = arith.constant 0 : i32
        %dma_start3A_431 = arith.constant 0 : i32
        %dma_start3A_432 = tpu.memref_slice %arg7[%arg1, %dma_start3A_429, %dma_start3A_430, %dma_start3A_431] : memref<16x2x128x128xf32, #tpu.memory_space<vmem_shared>> -> memref<1x2x128x128xf32, #tpu.memory_space<vmem_shared>>
        %dma_start3A_433 = tpu.memref_squeeze %dma_start3A_432 : memref<1x2x128x128xf32, #tpu.memory_space<vmem_shared>> -> memref<2x128x128xf32, #tpu.memory_space<vmem_shared>>
        %dma_start3A_434 = arith.constant 0 : i32
        %dma_start3A_435 = arith.constant 0 : i32
        %dma_start3A_436 = tpu.memref_slice %dma_start3A_433[%dma_start3A_423, %dma_start3A_434, %dma_start3A_435] : memref<2x128x128xf32, #tpu.memory_space<vmem_shared>> -> memref<1x128x128xf32, #tpu.memory_space<vmem_shared>>
        %dma_start3A_437 = tpu.memref_squeeze %dma_start3A_436 : memref<1x128x128xf32, #tpu.memory_space<vmem_shared>> -> memref<128x128xf32, #tpu.memory_space<vmem_shared>>
        tpu.enqueue_dma source(%dma_start3A_437 : memref<128x128xf32, #tpu.memory_space<vmem_shared>>) target(%dma_start3A_428 : memref<128x128xf32, #tpu.memory_space<hbm>>) target_semaphore(%dma_start3A_426 : memref<!tpu.dma_semaphore, #tpu.memory_space<semaphore_mem>>)
      } else {
      }
      %add3A_187 = arith.constant 3 : i32
      %add3A_188 = arith.addi %add3A_133, %add3A_187 : i32
      %lt3A = arith.constant 200 : i32
      %lt3A_189 = arith.cmpi slt, %add3A_188, %lt3A : i32
      %convert_element_type3A_190 = arith.extui %lt3A_189 : i1 to i32
      %cond3A_191 = arith.constant 0 : i32
      %cond3A_192 = arith.cmpi ne, %convert_element_type3A_190, %cond3A_191 : i32
      scf.if %cond3A_192 {
        %add3A_388 = arith.constant 3 : i32
        %add3A_389 = arith.addi %add3A_133, %add3A_388 : i32
        %dma_start3A_390 = arith.constant 3 : i32
        %dma_start3A_391 = arith.constant 3 : i32
        %dma_start3A_392 = arith.constant 0 : i32
        %dma_start3A_393 = arith.constant 0 : i32
        %dma_start3A_394 = tpu.memref_slice %arg6[%dma_start3A_390, %dma_start3A_392, %dma_start3A_393] : memref<4x128x128xf32, #tpu.memory_space<vmem>> -> memref<1x128x128xf32, #tpu.memory_space<vmem>>
        %dma_start3A_395 = tpu.memref_squeeze %dma_start3A_394 : memref<1x128x128xf32, #tpu.memory_space<vmem>> -> memref<128x128xf32, #tpu.memory_space<vmem>>
        %dma_start3A_396 = arith.constant 0 : i32
        %dma_start3A_397 = tpu.memref_slice %arg5[%add3A_389, %dma_start3A_396] : memref<200x128xi32, #tpu.memory_space<vmem>> -> memref<1x128xi32, #tpu.memory_space<vmem>>
        %dma_start3A_398 = tpu.memref_squeeze %dma_start3A_397 : memref<1x128xi32, #tpu.memory_space<vmem>> -> memref<128xi32, #tpu.memory_space<vmem>>
        %dma_start3A_399 = arith.constant 0 : i32
        %dma_start3A_400 = arith.constant 0 : i32
        %dma_start3A_401 = tpu.memref_slice %arg2[%dma_start3A_399, %dma_start3A_400] : memref<100000x128xf32, #tpu.memory_space<hbm>> -> memref<100000x128xf32, #tpu.memory_space<hbm>>
        %dma_start3A_402 = tpu.memref_slice %arg8[%dma_start3A_391] : memref<4x!tpu.dma_semaphore, #tpu.memory_space<semaphore_mem>> -> memref<1x!tpu.dma_semaphore, #tpu.memory_space<semaphore_mem>>
        %dma_start3A_403 = tpu.memref_squeeze %dma_start3A_402 : memref<1x!tpu.dma_semaphore, #tpu.memory_space<semaphore_mem>> -> memref<!tpu.dma_semaphore, #tpu.memory_space<semaphore_mem>>
        tpu.enqueue_indirect_dma source(%dma_start3A_401 : memref<100000x128xf32, #tpu.memory_space<hbm>>) target(%dma_start3A_395 : memref<128x128xf32, #tpu.memory_space<vmem>>) offsets(%dma_start3A_398 : memref<128xi32, #tpu.memory_space<vmem>>) semaphore(%dma_start3A_403 : memref<!tpu.dma_semaphore, #tpu.memory_space<semaphore_mem>>)
      } else {
      }
      %add3A_193 = arith.constant 1 : i32
      %add3A_194 = arith.addi %mul3A_131, %add3A_193 : i32
      %dma_wait3A_195 = arith.constant 0 : i32
      %dma_wait3A_196 = arith.constant 1 : i32
      %dma_wait3A_197 = arith.constant 1 : i32
      %dma_wait3A_198 = arith.constant 0 : i32
      %dma_wait3A_199 = arith.constant 0 : i32
      %dma_wait3A_200 = tpu.memref_slice %arg6[%dma_wait3A_196, %dma_wait3A_198, %dma_wait3A_199] : memref<4x128x128xf32, #tpu.memory_space<vmem>> -> memref<1x128x128xf32, #tpu.memory_space<vmem>>
      %dma_wait3A_201 = tpu.memref_squeeze %dma_wait3A_200 : memref<1x128x128xf32, #tpu.memory_space<vmem>> -> memref<128x128xf32, #tpu.memory_space<vmem>>
      %dma_wait3A_202 = arith.constant 0 : i32
      %dma_wait3A_203 = tpu.memref_slice %arg5[%dma_wait3A_195, %dma_wait3A_202] : memref<200x128xi32, #tpu.memory_space<vmem>> -> memref<1x128xi32, #tpu.memory_space<vmem>>
      %dma_wait3A_204 = tpu.memref_squeeze %dma_wait3A_203 : memref<1x128xi32, #tpu.memory_space<vmem>> -> memref<128xi32, #tpu.memory_space<vmem>>
      %dma_wait3A_205 = arith.constant 0 : i32
      %dma_wait3A_206 = arith.constant 0 : i32
      %dma_wait3A_207 = tpu.memref_slice %arg2[%dma_wait3A_205, %dma_wait3A_206] : memref<100000x128xf32, #tpu.memory_space<hbm>> -> memref<100000x128xf32, #tpu.memory_space<hbm>>
      %dma_wait3A_208 = tpu.memref_slice %arg8[%dma_wait3A_197] : memref<4x!tpu.dma_semaphore, #tpu.memory_space<semaphore_mem>> -> memref<1x!tpu.dma_semaphore, #tpu.memory_space<semaphore_mem>>
      %dma_wait3A_209 = tpu.memref_squeeze %dma_wait3A_208 : memref<1x!tpu.dma_semaphore, #tpu.memory_space<semaphore_mem>> -> memref<!tpu.dma_semaphore, #tpu.memory_space<semaphore_mem>>
      tpu.wait_indirect_dma semaphore(%dma_wait3A_209 : memref<!tpu.dma_semaphore, #tpu.memory_space<semaphore_mem>>) src(%dma_wait3A_207 : memref<100000x128xf32, #tpu.memory_space<hbm>>) dst(%dma_wait3A_201 : memref<128x128xf32, #tpu.memory_space<vmem>>)
      %ge3A_210 = arith.constant 2 : i32
      %ge3A_211 = arith.cmpi sge, %add3A_194, %ge3A_210 : i32
      %convert_element_type3A_212 = arith.extui %ge3A_211 : i1 to i32
      %cond3A_213 = arith.constant 0 : i32
      %cond3A_214 = arith.cmpi ne, %convert_element_type3A_212, %cond3A_213 : i32
      scf.if %cond3A_214 {
        %dma_wait3A_388 = arith.constant 0 : i32
        %dma_wait3A_389 = arith.constant 1 : i32
        %dma_wait3A_390 = tpu.memref_slice %arg10[%dma_wait3A_389] : memref<2x!tpu.dma_semaphore, #tpu.memory_space<semaphore_mem>> -> memref<1x!tpu.dma_semaphore, #tpu.memory_space<semaphore_mem>>
        %dma_wait3A_391 = tpu.memref_squeeze %dma_wait3A_390 : memref<1x!tpu.dma_semaphore, #tpu.memory_space<semaphore_mem>> -> memref<!tpu.dma_semaphore, #tpu.memory_space<semaphore_mem>>
        %dma_wait3A_392 = arith.constant 0 : i32
        %dma_wait3A_393 = tpu.memref_slice %arg4[%mul3A_2, %dma_wait3A_392] : memref<819200x128xf32, #tpu.memory_space<hbm>> -> memref<128x128xf32, #tpu.memory_space<hbm>>
        %dma_wait3A_394 = arith.constant 0 : i32
        %dma_wait3A_395 = arith.constant 0 : i32
        %dma_wait3A_396 = arith.constant 0 : i32
        %dma_wait3A_397 = tpu.memref_slice %arg7[%arg1, %dma_wait3A_394, %dma_wait3A_395, %dma_wait3A_396] : memref<16x2x128x128xf32, #tpu.memory_space<vmem_shared>> -> memref<1x2x128x128xf32, #tpu.memory_space<vmem_shared>>
        %dma_wait3A_398 = tpu.memref_squeeze %dma_wait3A_397 : memref<1x2x128x128xf32, #tpu.memory_space<vmem_shared>> -> memref<2x128x128xf32, #tpu.memory_space<vmem_shared>>
        %dma_wait3A_399 = arith.constant 0 : i32
        %dma_wait3A_400 = arith.constant 0 : i32
        %dma_wait3A_401 = tpu.memref_slice %dma_wait3A_398[%dma_wait3A_388, %dma_wait3A_399, %dma_wait3A_400] : memref<2x128x128xf32, #tpu.memory_space<vmem_shared>> -> memref<1x128x128xf32, #tpu.memory_space<vmem_shared>>
        %dma_wait3A_402 = tpu.memref_squeeze %dma_wait3A_401 : memref<1x128x128xf32, #tpu.memory_space<vmem_shared>> -> memref<128x128xf32, #tpu.memory_space<vmem_shared>>
        tpu.wait_dma2 semaphore(%dma_wait3A_391 : memref<!tpu.dma_semaphore, #tpu.memory_space<semaphore_mem>>) src(%dma_wait3A_402 : memref<128x128xf32, #tpu.memory_space<vmem_shared>>) dst(%dma_wait3A_393 : memref<128x128xf32, #tpu.memory_space<hbm>>)
      } else {
      }
      %dma_start3A_215 = arith.constant 1 : i32
      %dma_start3A_216 = arith.constant 1 : i32
      %dma_start3A_217 = arith.constant 1 : i32
      %dma_start3A_218 = arith.constant 0 : i32
      %dma_start3A_219 = arith.constant 0 : i32
      %dma_start3A_220 = tpu.memref_slice %arg6[%dma_start3A_215, %dma_start3A_218, %dma_start3A_219] : memref<4x128x128xf32, #tpu.memory_space<vmem>> -> memref<1x128x128xf32, #tpu.memory_space<vmem>>
      %dma_start3A_221 = tpu.memref_squeeze %dma_start3A_220 : memref<1x128x128xf32, #tpu.memory_space<vmem>> -> memref<128x128xf32, #tpu.memory_space<vmem>>
      %dma_start3A_222 = arith.constant 0 : i32
      %dma_start3A_223 = arith.constant 0 : i32
      %dma_start3A_224 = arith.constant 0 : i32
      %dma_start3A_225 = tpu.memref_slice %arg7[%arg1, %dma_start3A_222, %dma_start3A_223, %dma_start3A_224] : memref<16x2x128x128xf32, #tpu.memory_space<vmem_shared>> -> memref<1x2x128x128xf32, #tpu.memory_space<vmem_shared>>
      %dma_start3A_226 = tpu.memref_squeeze %dma_start3A_225 : memref<1x2x128x128xf32, #tpu.memory_space<vmem_shared>> -> memref<2x128x128xf32, #tpu.memory_space<vmem_shared>>
      %dma_start3A_227 = arith.constant 0 : i32
      %dma_start3A_228 = arith.constant 0 : i32
      %dma_start3A_229 = tpu.memref_slice %dma_start3A_226[%dma_start3A_216, %dma_start3A_227, %dma_start3A_228] : memref<2x128x128xf32, #tpu.memory_space<vmem_shared>> -> memref<1x128x128xf32, #tpu.memory_space<vmem_shared>>
      %dma_start3A_230 = tpu.memref_squeeze %dma_start3A_229 : memref<1x128x128xf32, #tpu.memory_space<vmem_shared>> -> memref<128x128xf32, #tpu.memory_space<vmem_shared>>
      %dma_start3A_231 = tpu.memref_slice %arg9[%dma_start3A_217] : memref<2x!tpu.dma_semaphore, #tpu.memory_space<semaphore_mem>> -> memref<1x!tpu.dma_semaphore, #tpu.memory_space<semaphore_mem>>
      %dma_start3A_232 = tpu.memref_squeeze %dma_start3A_231 : memref<1x!tpu.dma_semaphore, #tpu.memory_space<semaphore_mem>> -> memref<!tpu.dma_semaphore, #tpu.memory_space<semaphore_mem>>
      %dma_start3A_233 = arith.constant 0 : i32
      %dma_start3A_234 = arith.constant 0 : i32
      %dma_start3A_235 = arith.constant 0 : i32
      %dma_start3A_236 = tpu.memref_slice %arg7[%arg1, %dma_start3A_233, %dma_start3A_234, %dma_start3A_235] : memref<16x2x128x128xf32, #tpu.memory_space<vmem_shared>> -> memref<1x2x128x128xf32, #tpu.memory_space<vmem_shared>>
      %dma_start3A_237 = tpu.memref_squeeze %dma_start3A_236 : memref<1x2x128x128xf32, #tpu.memory_space<vmem_shared>> -> memref<2x128x128xf32, #tpu.memory_space<vmem_shared>>
      %dma_start3A_238 = arith.constant 0 : i32
      %dma_start3A_239 = arith.constant 0 : i32
      %dma_start3A_240 = tpu.memref_slice %dma_start3A_237[%dma_start3A_216, %dma_start3A_238, %dma_start3A_239] : memref<2x128x128xf32, #tpu.memory_space<vmem_shared>> -> memref<1x128x128xf32, #tpu.memory_space<vmem_shared>>
      %dma_start3A_241 = tpu.memref_squeeze %dma_start3A_240 : memref<1x128x128xf32, #tpu.memory_space<vmem_shared>> -> memref<128x128xf32, #tpu.memory_space<vmem_shared>>
      %dma_start3A_242 = arith.constant 0 : i32
      %dma_start3A_243 = arith.constant 0 : i32
      %dma_start3A_244 = tpu.memref_slice %arg6[%dma_start3A_215, %dma_start3A_242, %dma_start3A_243] : memref<4x128x128xf32, #tpu.memory_space<vmem>> -> memref<1x128x128xf32, #tpu.memory_space<vmem>>
      %dma_start3A_245 = tpu.memref_squeeze %dma_start3A_244 : memref<1x128x128xf32, #tpu.memory_space<vmem>> -> memref<128x128xf32, #tpu.memory_space<vmem>>
      tpu.enqueue_dma source(%dma_start3A_245 : memref<128x128xf32, #tpu.memory_space<vmem>>) target(%dma_start3A_241 : memref<128x128xf32, #tpu.memory_space<vmem_shared>>) target_semaphore(%dma_start3A_232 : memref<!tpu.dma_semaphore, #tpu.memory_space<semaphore_mem>>)
      %ge3A_246 = arith.constant 1 : i32
      %ge3A_247 = arith.cmpi sge, %add3A_194, %ge3A_246 : i32
      %convert_element_type3A_248 = arith.extui %ge3A_247 : i1 to i32
      %cond3A_249 = arith.constant 0 : i32
      %cond3A_250 = arith.cmpi ne, %convert_element_type3A_248, %cond3A_249 : i32
      scf.if %cond3A_250 {
        %dma_wait3A_388 = arith.constant 0 : i32
        %dma_wait3A_389 = arith.constant 0 : i32
        %dma_wait3A_390 = arith.constant 0 : i32
        %dma_wait3A_391 = arith.constant 0 : i32
        %dma_wait3A_392 = arith.constant 0 : i32
        %dma_wait3A_393 = tpu.memref_slice %arg6[%dma_wait3A_388, %dma_wait3A_391, %dma_wait3A_392] : memref<4x128x128xf32, #tpu.memory_space<vmem>> -> memref<1x128x128xf32, #tpu.memory_space<vmem>>
        %dma_wait3A_394 = tpu.memref_squeeze %dma_wait3A_393 : memref<1x128x128xf32, #tpu.memory_space<vmem>> -> memref<128x128xf32, #tpu.memory_space<vmem>>
        %dma_wait3A_395 = arith.constant 0 : i32
        %dma_wait3A_396 = arith.constant 0 : i32
        %dma_wait3A_397 = arith.constant 0 : i32
        %dma_wait3A_398 = tpu.memref_slice %arg7[%arg1, %dma_wait3A_395, %dma_wait3A_396, %dma_wait3A_397] : memref<16x2x128x128xf32, #tpu.memory_space<vmem_shared>> -> memref<1x2x128x128xf32, #tpu.memory_space<vmem_shared>>
        %dma_wait3A_399 = tpu.memref_squeeze %dma_wait3A_398 : memref<1x2x128x128xf32, #tpu.memory_space<vmem_shared>> -> memref<2x128x128xf32, #tpu.memory_space<vmem_shared>>
        %dma_wait3A_400 = arith.constant 0 : i32
        %dma_wait3A_401 = arith.constant 0 : i32
        %dma_wait3A_402 = tpu.memref_slice %dma_wait3A_399[%dma_wait3A_389, %dma_wait3A_400, %dma_wait3A_401] : memref<2x128x128xf32, #tpu.memory_space<vmem_shared>> -> memref<1x128x128xf32, #tpu.memory_space<vmem_shared>>
        %dma_wait3A_403 = tpu.memref_squeeze %dma_wait3A_402 : memref<1x128x128xf32, #tpu.memory_space<vmem_shared>> -> memref<128x128xf32, #tpu.memory_space<vmem_shared>>
        %dma_wait3A_404 = tpu.memref_slice %arg9[%dma_wait3A_390] : memref<2x!tpu.dma_semaphore, #tpu.memory_space<semaphore_mem>> -> memref<1x!tpu.dma_semaphore, #tpu.memory_space<semaphore_mem>>
        %dma_wait3A_405 = tpu.memref_squeeze %dma_wait3A_404 : memref<1x!tpu.dma_semaphore, #tpu.memory_space<semaphore_mem>> -> memref<!tpu.dma_semaphore, #tpu.memory_space<semaphore_mem>>
        %dma_wait3A_406 = arith.constant 0 : i32
        %dma_wait3A_407 = arith.constant 0 : i32
        %dma_wait3A_408 = arith.constant 0 : i32
        %dma_wait3A_409 = tpu.memref_slice %arg7[%arg1, %dma_wait3A_406, %dma_wait3A_407, %dma_wait3A_408] : memref<16x2x128x128xf32, #tpu.memory_space<vmem_shared>> -> memref<1x2x128x128xf32, #tpu.memory_space<vmem_shared>>
        %dma_wait3A_410 = tpu.memref_squeeze %dma_wait3A_409 : memref<1x2x128x128xf32, #tpu.memory_space<vmem_shared>> -> memref<2x128x128xf32, #tpu.memory_space<vmem_shared>>
        %dma_wait3A_411 = arith.constant 0 : i32
        %dma_wait3A_412 = arith.constant 0 : i32
        %dma_wait3A_413 = tpu.memref_slice %dma_wait3A_410[%dma_wait3A_389, %dma_wait3A_411, %dma_wait3A_412] : memref<2x128x128xf32, #tpu.memory_space<vmem_shared>> -> memref<1x128x128xf32, #tpu.memory_space<vmem_shared>>
        %dma_wait3A_414 = tpu.memref_squeeze %dma_wait3A_413 : memref<1x128x128xf32, #tpu.memory_space<vmem_shared>> -> memref<128x128xf32, #tpu.memory_space<vmem_shared>>
        %dma_wait3A_415 = arith.constant 0 : i32
        %dma_wait3A_416 = arith.constant 0 : i32
        %dma_wait3A_417 = tpu.memref_slice %arg6[%dma_wait3A_388, %dma_wait3A_415, %dma_wait3A_416] : memref<4x128x128xf32, #tpu.memory_space<vmem>> -> memref<1x128x128xf32, #tpu.memory_space<vmem>>
        %dma_wait3A_418 = tpu.memref_squeeze %dma_wait3A_417 : memref<1x128x128xf32, #tpu.memory_space<vmem>> -> memref<128x128xf32, #tpu.memory_space<vmem>>
        tpu.wait_dma2 semaphore(%dma_wait3A_405 : memref<!tpu.dma_semaphore, #tpu.memory_space<semaphore_mem>>) src(%dma_wait3A_418 : memref<128x128xf32, #tpu.memory_space<vmem>>) dst(%dma_wait3A_414 : memref<128x128xf32, #tpu.memory_space<vmem_shared>>)
        %sub3A = arith.constant 1 : i32
        %sub3A_419 = arith.subi %add3A_194, %sub3A : i32
        %mul3A_420 = arith.constant 128 : i32
        %mul3A_421 = arith.muli %sub3A_419, %mul3A_420 : i32
        %add3A_422 = arith.addi %mul3A_2, %mul3A_421 : i32
        %dma_start3A_423 = arith.constant 0 : i32
        %dma_start3A_424 = arith.constant 0 : i32
        %dma_start3A_425 = tpu.memref_slice %arg10[%dma_start3A_424] : memref<2x!tpu.dma_semaphore, #tpu.memory_space<semaphore_mem>> -> memref<1x!tpu.dma_semaphore, #tpu.memory_space<semaphore_mem>>
        %dma_start3A_426 = tpu.memref_squeeze %dma_start3A_425 : memref<1x!tpu.dma_semaphore, #tpu.memory_space<semaphore_mem>> -> memref<!tpu.dma_semaphore, #tpu.memory_space<semaphore_mem>>
        %dma_start3A_427 = arith.constant 0 : i32
        %dma_start3A_428 = tpu.memref_slice %arg4[%add3A_422, %dma_start3A_427] : memref<819200x128xf32, #tpu.memory_space<hbm>> -> memref<128x128xf32, #tpu.memory_space<hbm>>
        %dma_start3A_429 = arith.constant 0 : i32
        %dma_start3A_430 = arith.constant 0 : i32
        %dma_start3A_431 = arith.constant 0 : i32
        %dma_start3A_432 = tpu.memref_slice %arg7[%arg1, %dma_start3A_429, %dma_start3A_430, %dma_start3A_431] : memref<16x2x128x128xf32, #tpu.memory_space<vmem_shared>> -> memref<1x2x128x128xf32, #tpu.memory_space<vmem_shared>>
        %dma_start3A_433 = tpu.memref_squeeze %dma_start3A_432 : memref<1x2x128x128xf32, #tpu.memory_space<vmem_shared>> -> memref<2x128x128xf32, #tpu.memory_space<vmem_shared>>
        %dma_start3A_434 = arith.constant 0 : i32
        %dma_start3A_435 = arith.constant 0 : i32
        %dma_start3A_436 = tpu.memref_slice %dma_start3A_433[%dma_start3A_423, %dma_start3A_434, %dma_start3A_435] : memref<2x128x128xf32, #tpu.memory_space<vmem_shared>> -> memref<1x128x128xf32, #tpu.memory_space<vmem_shared>>
        %dma_start3A_437 = tpu.memref_squeeze %dma_start3A_436 : memref<1x128x128xf32, #tpu.memory_space<vmem_shared>> -> memref<128x128xf32, #tpu.memory_space<vmem_shared>>
        tpu.enqueue_dma source(%dma_start3A_437 : memref<128x128xf32, #tpu.memory_space<vmem_shared>>) target(%dma_start3A_428 : memref<128x128xf32, #tpu.memory_space<hbm>>) target_semaphore(%dma_start3A_426 : memref<!tpu.dma_semaphore, #tpu.memory_space<semaphore_mem>>)
      } else {
      }
      %add3A_251 = arith.constant 3 : i32
      %add3A_252 = arith.addi %add3A_194, %add3A_251 : i32
      %lt3A_253 = arith.constant 200 : i32
      %lt3A_254 = arith.cmpi slt, %add3A_252, %lt3A_253 : i32
      %convert_element_type3A_255 = arith.extui %lt3A_254 : i1 to i32
      %cond3A_256 = arith.constant 0 : i32
      %cond3A_257 = arith.cmpi ne, %convert_element_type3A_255, %cond3A_256 : i32
      scf.if %cond3A_257 {
        %add3A_388 = arith.constant 3 : i32
        %add3A_389 = arith.addi %add3A_194, %add3A_388 : i32
        %dma_start3A_390 = arith.constant 0 : i32
        %dma_start3A_391 = arith.constant 0 : i32
        %dma_start3A_392 = arith.constant 0 : i32
        %dma_start3A_393 = arith.constant 0 : i32
        %dma_start3A_394 = tpu.memref_slice %arg6[%dma_start3A_390, %dma_start3A_392, %dma_start3A_393] : memref<4x128x128xf32, #tpu.memory_space<vmem>> -> memref<1x128x128xf32, #tpu.memory_space<vmem>>
        %dma_start3A_395 = tpu.memref_squeeze %dma_start3A_394 : memref<1x128x128xf32, #tpu.memory_space<vmem>> -> memref<128x128xf32, #tpu.memory_space<vmem>>
        %dma_start3A_396 = arith.constant 0 : i32
        %dma_start3A_397 = tpu.memref_slice %arg5[%add3A_389, %dma_start3A_396] : memref<200x128xi32, #tpu.memory_space<vmem>> -> memref<1x128xi32, #tpu.memory_space<vmem>>
        %dma_start3A_398 = tpu.memref_squeeze %dma_start3A_397 : memref<1x128xi32, #tpu.memory_space<vmem>> -> memref<128xi32, #tpu.memory_space<vmem>>
        %dma_start3A_399 = arith.constant 0 : i32
        %dma_start3A_400 = arith.constant 0 : i32
        %dma_start3A_401 = tpu.memref_slice %arg2[%dma_start3A_399, %dma_start3A_400] : memref<100000x128xf32, #tpu.memory_space<hbm>> -> memref<100000x128xf32, #tpu.memory_space<hbm>>
        %dma_start3A_402 = tpu.memref_slice %arg8[%dma_start3A_391] : memref<4x!tpu.dma_semaphore, #tpu.memory_space<semaphore_mem>> -> memref<1x!tpu.dma_semaphore, #tpu.memory_space<semaphore_mem>>
        %dma_start3A_403 = tpu.memref_squeeze %dma_start3A_402 : memref<1x!tpu.dma_semaphore, #tpu.memory_space<semaphore_mem>> -> memref<!tpu.dma_semaphore, #tpu.memory_space<semaphore_mem>>
        tpu.enqueue_indirect_dma source(%dma_start3A_401 : memref<100000x128xf32, #tpu.memory_space<hbm>>) target(%dma_start3A_395 : memref<128x128xf32, #tpu.memory_space<vmem>>) offsets(%dma_start3A_398 : memref<128xi32, #tpu.memory_space<vmem>>) semaphore(%dma_start3A_403 : memref<!tpu.dma_semaphore, #tpu.memory_space<semaphore_mem>>)
      } else {
      }
      %add3A_258 = arith.constant 2 : i32
      %add3A_259 = arith.addi %mul3A_131, %add3A_258 : i32
      %dma_wait3A_260 = arith.constant 0 : i32
      %dma_wait3A_261 = arith.constant 2 : i32
      %dma_wait3A_262 = arith.constant 2 : i32
      %dma_wait3A_263 = arith.constant 0 : i32
      %dma_wait3A_264 = arith.constant 0 : i32
      %dma_wait3A_265 = tpu.memref_slice %arg6[%dma_wait3A_261, %dma_wait3A_263, %dma_wait3A_264] : memref<4x128x128xf32, #tpu.memory_space<vmem>> -> memref<1x128x128xf32, #tpu.memory_space<vmem>>
      %dma_wait3A_266 = tpu.memref_squeeze %dma_wait3A_265 : memref<1x128x128xf32, #tpu.memory_space<vmem>> -> memref<128x128xf32, #tpu.memory_space<vmem>>
      %dma_wait3A_267 = arith.constant 0 : i32
      %dma_wait3A_268 = tpu.memref_slice %arg5[%dma_wait3A_260, %dma_wait3A_267] : memref<200x128xi32, #tpu.memory_space<vmem>> -> memref<1x128xi32, #tpu.memory_space<vmem>>
      %dma_wait3A_269 = tpu.memref_squeeze %dma_wait3A_268 : memref<1x128xi32, #tpu.memory_space<vmem>> -> memref<128xi32, #tpu.memory_space<vmem>>
      %dma_wait3A_270 = arith.constant 0 : i32
      %dma_wait3A_271 = arith.constant 0 : i32
      %dma_wait3A_272 = tpu.memref_slice %arg2[%dma_wait3A_270, %dma_wait3A_271] : memref<100000x128xf32, #tpu.memory_space<hbm>> -> memref<100000x128xf32, #tpu.memory_space<hbm>>
      %dma_wait3A_273 = tpu.memref_slice %arg8[%dma_wait3A_262] : memref<4x!tpu.dma_semaphore, #tpu.memory_space<semaphore_mem>> -> memref<1x!tpu.dma_semaphore, #tpu.memory_space<semaphore_mem>>
      %dma_wait3A_274 = tpu.memref_squeeze %dma_wait3A_273 : memref<1x!tpu.dma_semaphore, #tpu.memory_space<semaphore_mem>> -> memref<!tpu.dma_semaphore, #tpu.memory_space<semaphore_mem>>
      tpu.wait_indirect_dma semaphore(%dma_wait3A_274 : memref<!tpu.dma_semaphore, #tpu.memory_space<semaphore_mem>>) src(%dma_wait3A_272 : memref<100000x128xf32, #tpu.memory_space<hbm>>) dst(%dma_wait3A_266 : memref<128x128xf32, #tpu.memory_space<vmem>>)
      %ge3A_275 = arith.constant 2 : i32
      %ge3A_276 = arith.cmpi sge, %add3A_259, %ge3A_275 : i32
      %convert_element_type3A_277 = arith.extui %ge3A_276 : i1 to i32
      %cond3A_278 = arith.constant 0 : i32
      %cond3A_279 = arith.cmpi ne, %convert_element_type3A_277, %cond3A_278 : i32
      scf.if %cond3A_279 {
        %dma_wait3A_388 = arith.constant 0 : i32
        %dma_wait3A_389 = arith.constant 0 : i32
        %dma_wait3A_390 = tpu.memref_slice %arg10[%dma_wait3A_389] : memref<2x!tpu.dma_semaphore, #tpu.memory_space<semaphore_mem>> -> memref<1x!tpu.dma_semaphore, #tpu.memory_space<semaphore_mem>>
        %dma_wait3A_391 = tpu.memref_squeeze %dma_wait3A_390 : memref<1x!tpu.dma_semaphore, #tpu.memory_space<semaphore_mem>> -> memref<!tpu.dma_semaphore, #tpu.memory_space<semaphore_mem>>
        %dma_wait3A_392 = arith.constant 0 : i32
        %dma_wait3A_393 = tpu.memref_slice %arg4[%mul3A_2, %dma_wait3A_392] : memref<819200x128xf32, #tpu.memory_space<hbm>> -> memref<128x128xf32, #tpu.memory_space<hbm>>
        %dma_wait3A_394 = arith.constant 0 : i32
        %dma_wait3A_395 = arith.constant 0 : i32
        %dma_wait3A_396 = arith.constant 0 : i32
        %dma_wait3A_397 = tpu.memref_slice %arg7[%arg1, %dma_wait3A_394, %dma_wait3A_395, %dma_wait3A_396] : memref<16x2x128x128xf32, #tpu.memory_space<vmem_shared>> -> memref<1x2x128x128xf32, #tpu.memory_space<vmem_shared>>
        %dma_wait3A_398 = tpu.memref_squeeze %dma_wait3A_397 : memref<1x2x128x128xf32, #tpu.memory_space<vmem_shared>> -> memref<2x128x128xf32, #tpu.memory_space<vmem_shared>>
        %dma_wait3A_399 = arith.constant 0 : i32
        %dma_wait3A_400 = arith.constant 0 : i32
        %dma_wait3A_401 = tpu.memref_slice %dma_wait3A_398[%dma_wait3A_388, %dma_wait3A_399, %dma_wait3A_400] : memref<2x128x128xf32, #tpu.memory_space<vmem_shared>> -> memref<1x128x128xf32, #tpu.memory_space<vmem_shared>>
        %dma_wait3A_402 = tpu.memref_squeeze %dma_wait3A_401 : memref<1x128x128xf32, #tpu.memory_space<vmem_shared>> -> memref<128x128xf32, #tpu.memory_space<vmem_shared>>
        tpu.wait_dma2 semaphore(%dma_wait3A_391 : memref<!tpu.dma_semaphore, #tpu.memory_space<semaphore_mem>>) src(%dma_wait3A_402 : memref<128x128xf32, #tpu.memory_space<vmem_shared>>) dst(%dma_wait3A_393 : memref<128x128xf32, #tpu.memory_space<hbm>>)
      } else {
      }
      %dma_start3A_280 = arith.constant 2 : i32
      %dma_start3A_281 = arith.constant 0 : i32
      %dma_start3A_282 = arith.constant 0 : i32
      %dma_start3A_283 = arith.constant 0 : i32
      %dma_start3A_284 = arith.constant 0 : i32
      %dma_start3A_285 = tpu.memref_slice %arg6[%dma_start3A_280, %dma_start3A_283, %dma_start3A_284] : memref<4x128x128xf32, #tpu.memory_space<vmem>> -> memref<1x128x128xf32, #tpu.memory_space<vmem>>
      %dma_start3A_286 = tpu.memref_squeeze %dma_start3A_285 : memref<1x128x128xf32, #tpu.memory_space<vmem>> -> memref<128x128xf32, #tpu.memory_space<vmem>>
      %dma_start3A_287 = arith.constant 0 : i32
      %dma_start3A_288 = arith.constant 0 : i32
      %dma_start3A_289 = arith.constant 0 : i32
      %dma_start3A_290 = tpu.memref_slice %arg7[%arg1, %dma_start3A_287, %dma_start3A_288, %dma_start3A_289] : memref<16x2x128x128xf32, #tpu.memory_space<vmem_shared>> -> memref<1x2x128x128xf32, #tpu.memory_space<vmem_shared>>
      %dma_start3A_291 = tpu.memref_squeeze %dma_start3A_290 : memref<1x2x128x128xf32, #tpu.memory_space<vmem_shared>> -> memref<2x128x128xf32, #tpu.memory_space<vmem_shared>>
      %dma_start3A_292 = arith.constant 0 : i32
      %dma_start3A_293 = arith.constant 0 : i32
      %dma_start3A_294 = tpu.memref_slice %dma_start3A_291[%dma_start3A_281, %dma_start3A_292, %dma_start3A_293] : memref<2x128x128xf32, #tpu.memory_space<vmem_shared>> -> memref<1x128x128xf32, #tpu.memory_space<vmem_shared>>
      %dma_start3A_295 = tpu.memref_squeeze %dma_start3A_294 : memref<1x128x128xf32, #tpu.memory_space<vmem_shared>> -> memref<128x128xf32, #tpu.memory_space<vmem_shared>>
      %dma_start3A_296 = tpu.memref_slice %arg9[%dma_start3A_282] : memref<2x!tpu.dma_semaphore, #tpu.memory_space<semaphore_mem>> -> memref<1x!tpu.dma_semaphore, #tpu.memory_space<semaphore_mem>>
      %dma_start3A_297 = tpu.memref_squeeze %dma_start3A_296 : memref<1x!tpu.dma_semaphore, #tpu.memory_space<semaphore_mem>> -> memref<!tpu.dma_semaphore, #tpu.memory_space<semaphore_mem>>
      %dma_start3A_298 = arith.constant 0 : i32
      %dma_start3A_299 = arith.constant 0 : i32
      %dma_start3A_300 = arith.constant 0 : i32
      %dma_start3A_301 = tpu.memref_slice %arg7[%arg1, %dma_start3A_298, %dma_start3A_299, %dma_start3A_300] : memref<16x2x128x128xf32, #tpu.memory_space<vmem_shared>> -> memref<1x2x128x128xf32, #tpu.memory_space<vmem_shared>>
      %dma_start3A_302 = tpu.memref_squeeze %dma_start3A_301 : memref<1x2x128x128xf32, #tpu.memory_space<vmem_shared>> -> memref<2x128x128xf32, #tpu.memory_space<vmem_shared>>
      %dma_start3A_303 = arith.constant 0 : i32
      %dma_start3A_304 = arith.constant 0 : i32
      %dma_start3A_305 = tpu.memref_slice %dma_start3A_302[%dma_start3A_281, %dma_start3A_303, %dma_start3A_304] : memref<2x128x128xf32, #tpu.memory_space<vmem_shared>> -> memref<1x128x128xf32, #tpu.memory_space<vmem_shared>>
      %dma_start3A_306 = tpu.memref_squeeze %dma_start3A_305 : memref<1x128x128xf32, #tpu.memory_space<vmem_shared>> -> memref<128x128xf32, #tpu.memory_space<vmem_shared>>
      %dma_start3A_307 = arith.constant 0 : i32
      %dma_start3A_308 = arith.constant 0 : i32
      %dma_start3A_309 = tpu.memref_slice %arg6[%dma_start3A_280, %dma_start3A_307, %dma_start3A_308] : memref<4x128x128xf32, #tpu.memory_space<vmem>> -> memref<1x128x128xf32, #tpu.memory_space<vmem>>
      %dma_start3A_310 = tpu.memref_squeeze %dma_start3A_309 : memref<1x128x128xf32, #tpu.memory_space<vmem>> -> memref<128x128xf32, #tpu.memory_space<vmem>>
      tpu.enqueue_dma source(%dma_start3A_310 : memref<128x128xf32, #tpu.memory_space<vmem>>) target(%dma_start3A_306 : memref<128x128xf32, #tpu.memory_space<vmem_shared>>) target_semaphore(%dma_start3A_297 : memref<!tpu.dma_semaphore, #tpu.memory_space<semaphore_mem>>)
      %ge3A_311 = arith.constant 1 : i32
      %ge3A_312 = arith.cmpi sge, %add3A_259, %ge3A_311 : i32
      %convert_element_type3A_313 = arith.extui %ge3A_312 : i1 to i32
      %cond3A_314 = arith.constant 0 : i32
      %cond3A_315 = arith.cmpi ne, %convert_element_type3A_313, %cond3A_314 : i32
      scf.if %cond3A_315 {
        %dma_wait3A_388 = arith.constant 0 : i32
        %dma_wait3A_389 = arith.constant 1 : i32
        %dma_wait3A_390 = arith.constant 1 : i32
        %dma_wait3A_391 = arith.constant 0 : i32
        %dma_wait3A_392 = arith.constant 0 : i32
        %dma_wait3A_393 = tpu.memref_slice %arg6[%dma_wait3A_388, %dma_wait3A_391, %dma_wait3A_392] : memref<4x128x128xf32, #tpu.memory_space<vmem>> -> memref<1x128x128xf32, #tpu.memory_space<vmem>>
        %dma_wait3A_394 = tpu.memref_squeeze %dma_wait3A_393 : memref<1x128x128xf32, #tpu.memory_space<vmem>> -> memref<128x128xf32, #tpu.memory_space<vmem>>
        %dma_wait3A_395 = arith.constant 0 : i32
        %dma_wait3A_396 = arith.constant 0 : i32
        %dma_wait3A_397 = arith.constant 0 : i32
        %dma_wait3A_398 = tpu.memref_slice %arg7[%arg1, %dma_wait3A_395, %dma_wait3A_396, %dma_wait3A_397] : memref<16x2x128x128xf32, #tpu.memory_space<vmem_shared>> -> memref<1x2x128x128xf32, #tpu.memory_space<vmem_shared>>
        %dma_wait3A_399 = tpu.memref_squeeze %dma_wait3A_398 : memref<1x2x128x128xf32, #tpu.memory_space<vmem_shared>> -> memref<2x128x128xf32, #tpu.memory_space<vmem_shared>>
        %dma_wait3A_400 = arith.constant 0 : i32
        %dma_wait3A_401 = arith.constant 0 : i32
        %dma_wait3A_402 = tpu.memref_slice %dma_wait3A_399[%dma_wait3A_389, %dma_wait3A_400, %dma_wait3A_401] : memref<2x128x128xf32, #tpu.memory_space<vmem_shared>> -> memref<1x128x128xf32, #tpu.memory_space<vmem_shared>>
        %dma_wait3A_403 = tpu.memref_squeeze %dma_wait3A_402 : memref<1x128x128xf32, #tpu.memory_space<vmem_shared>> -> memref<128x128xf32, #tpu.memory_space<vmem_shared>>
        %dma_wait3A_404 = tpu.memref_slice %arg9[%dma_wait3A_390] : memref<2x!tpu.dma_semaphore, #tpu.memory_space<semaphore_mem>> -> memref<1x!tpu.dma_semaphore, #tpu.memory_space<semaphore_mem>>
        %dma_wait3A_405 = tpu.memref_squeeze %dma_wait3A_404 : memref<1x!tpu.dma_semaphore, #tpu.memory_space<semaphore_mem>> -> memref<!tpu.dma_semaphore, #tpu.memory_space<semaphore_mem>>
        %dma_wait3A_406 = arith.constant 0 : i32
        %dma_wait3A_407 = arith.constant 0 : i32
        %dma_wait3A_408 = arith.constant 0 : i32
        %dma_wait3A_409 = tpu.memref_slice %arg7[%arg1, %dma_wait3A_406, %dma_wait3A_407, %dma_wait3A_408] : memref<16x2x128x128xf32, #tpu.memory_space<vmem_shared>> -> memref<1x2x128x128xf32, #tpu.memory_space<vmem_shared>>
        %dma_wait3A_410 = tpu.memref_squeeze %dma_wait3A_409 : memref<1x2x128x128xf32, #tpu.memory_space<vmem_shared>> -> memref<2x128x128xf32, #tpu.memory_space<vmem_shared>>
        %dma_wait3A_411 = arith.constant 0 : i32
        %dma_wait3A_412 = arith.constant 0 : i32
        %dma_wait3A_413 = tpu.memref_slice %dma_wait3A_410[%dma_wait3A_389, %dma_wait3A_411, %dma_wait3A_412] : memref<2x128x128xf32, #tpu.memory_space<vmem_shared>> -> memref<1x128x128xf32, #tpu.memory_space<vmem_shared>>
        %dma_wait3A_414 = tpu.memref_squeeze %dma_wait3A_413 : memref<1x128x128xf32, #tpu.memory_space<vmem_shared>> -> memref<128x128xf32, #tpu.memory_space<vmem_shared>>
        %dma_wait3A_415 = arith.constant 0 : i32
        %dma_wait3A_416 = arith.constant 0 : i32
        %dma_wait3A_417 = tpu.memref_slice %arg6[%dma_wait3A_388, %dma_wait3A_415, %dma_wait3A_416] : memref<4x128x128xf32, #tpu.memory_space<vmem>> -> memref<1x128x128xf32, #tpu.memory_space<vmem>>
        %dma_wait3A_418 = tpu.memref_squeeze %dma_wait3A_417 : memref<1x128x128xf32, #tpu.memory_space<vmem>> -> memref<128x128xf32, #tpu.memory_space<vmem>>
        tpu.wait_dma2 semaphore(%dma_wait3A_405 : memref<!tpu.dma_semaphore, #tpu.memory_space<semaphore_mem>>) src(%dma_wait3A_418 : memref<128x128xf32, #tpu.memory_space<vmem>>) dst(%dma_wait3A_414 : memref<128x128xf32, #tpu.memory_space<vmem_shared>>)
        %sub3A = arith.constant 1 : i32
        %sub3A_419 = arith.subi %add3A_259, %sub3A : i32
        %mul3A_420 = arith.constant 128 : i32
        %mul3A_421 = arith.muli %sub3A_419, %mul3A_420 : i32
        %add3A_422 = arith.addi %mul3A_2, %mul3A_421 : i32
        %dma_start3A_423 = arith.constant 1 : i32
        %dma_start3A_424 = arith.constant 1 : i32
        %dma_start3A_425 = tpu.memref_slice %arg10[%dma_start3A_424] : memref<2x!tpu.dma_semaphore, #tpu.memory_space<semaphore_mem>> -> memref<1x!tpu.dma_semaphore, #tpu.memory_space<semaphore_mem>>
        %dma_start3A_426 = tpu.memref_squeeze %dma_start3A_425 : memref<1x!tpu.dma_semaphore, #tpu.memory_space<semaphore_mem>> -> memref<!tpu.dma_semaphore, #tpu.memory_space<semaphore_mem>>
        %dma_start3A_427 = arith.constant 0 : i32
        %dma_start3A_428 = tpu.memref_slice %arg4[%add3A_422, %dma_start3A_427] : memref<819200x128xf32, #tpu.memory_space<hbm>> -> memref<128x128xf32, #tpu.memory_space<hbm>>
        %dma_start3A_429 = arith.constant 0 : i32
        %dma_start3A_430 = arith.constant 0 : i32
        %dma_start3A_431 = arith.constant 0 : i32
        %dma_start3A_432 = tpu.memref_slice %arg7[%arg1, %dma_start3A_429, %dma_start3A_430, %dma_start3A_431] : memref<16x2x128x128xf32, #tpu.memory_space<vmem_shared>> -> memref<1x2x128x128xf32, #tpu.memory_space<vmem_shared>>
        %dma_start3A_433 = tpu.memref_squeeze %dma_start3A_432 : memref<1x2x128x128xf32, #tpu.memory_space<vmem_shared>> -> memref<2x128x128xf32, #tpu.memory_space<vmem_shared>>
        %dma_start3A_434 = arith.constant 0 : i32
        %dma_start3A_435 = arith.constant 0 : i32
        %dma_start3A_436 = tpu.memref_slice %dma_start3A_433[%dma_start3A_423, %dma_start3A_434, %dma_start3A_435] : memref<2x128x128xf32, #tpu.memory_space<vmem_shared>> -> memref<1x128x128xf32, #tpu.memory_space<vmem_shared>>
        %dma_start3A_437 = tpu.memref_squeeze %dma_start3A_436 : memref<1x128x128xf32, #tpu.memory_space<vmem_shared>> -> memref<128x128xf32, #tpu.memory_space<vmem_shared>>
        tpu.enqueue_dma source(%dma_start3A_437 : memref<128x128xf32, #tpu.memory_space<vmem_shared>>) target(%dma_start3A_428 : memref<128x128xf32, #tpu.memory_space<hbm>>) target_semaphore(%dma_start3A_426 : memref<!tpu.dma_semaphore, #tpu.memory_space<semaphore_mem>>)
      } else {
      }
      %add3A_316 = arith.constant 3 : i32
      %add3A_317 = arith.addi %add3A_259, %add3A_316 : i32
      %lt3A_318 = arith.constant 200 : i32
      %lt3A_319 = arith.cmpi slt, %add3A_317, %lt3A_318 : i32
      %convert_element_type3A_320 = arith.extui %lt3A_319 : i1 to i32
      %cond3A_321 = arith.constant 0 : i32
      %cond3A_322 = arith.cmpi ne, %convert_element_type3A_320, %cond3A_321 : i32
      scf.if %cond3A_322 {
        %add3A_388 = arith.constant 3 : i32
        %add3A_389 = arith.addi %add3A_259, %add3A_388 : i32
        %dma_start3A_390 = arith.constant 1 : i32
        %dma_start3A_391 = arith.constant 1 : i32
        %dma_start3A_392 = arith.constant 0 : i32
        %dma_start3A_393 = arith.constant 0 : i32
        %dma_start3A_394 = tpu.memref_slice %arg6[%dma_start3A_390, %dma_start3A_392, %dma_start3A_393] : memref<4x128x128xf32, #tpu.memory_space<vmem>> -> memref<1x128x128xf32, #tpu.memory_space<vmem>>
        %dma_start3A_395 = tpu.memref_squeeze %dma_start3A_394 : memref<1x128x128xf32, #tpu.memory_space<vmem>> -> memref<128x128xf32, #tpu.memory_space<vmem>>
        %dma_start3A_396 = arith.constant 0 : i32
        %dma_start3A_397 = tpu.memref_slice %arg5[%add3A_389, %dma_start3A_396] : memref<200x128xi32, #tpu.memory_space<vmem>> -> memref<1x128xi32, #tpu.memory_space<vmem>>
        %dma_start3A_398 = tpu.memref_squeeze %dma_start3A_397 : memref<1x128xi32, #tpu.memory_space<vmem>> -> memref<128xi32, #tpu.memory_space<vmem>>
        %dma_start3A_399 = arith.constant 0 : i32
        %dma_start3A_400 = arith.constant 0 : i32
        %dma_start3A_401 = tpu.memref_slice %arg2[%dma_start3A_399, %dma_start3A_400] : memref<100000x128xf32, #tpu.memory_space<hbm>> -> memref<100000x128xf32, #tpu.memory_space<hbm>>
        %dma_start3A_402 = tpu.memref_slice %arg8[%dma_start3A_391] : memref<4x!tpu.dma_semaphore, #tpu.memory_space<semaphore_mem>> -> memref<1x!tpu.dma_semaphore, #tpu.memory_space<semaphore_mem>>
        %dma_start3A_403 = tpu.memref_squeeze %dma_start3A_402 : memref<1x!tpu.dma_semaphore, #tpu.memory_space<semaphore_mem>> -> memref<!tpu.dma_semaphore, #tpu.memory_space<semaphore_mem>>
        tpu.enqueue_indirect_dma source(%dma_start3A_401 : memref<100000x128xf32, #tpu.memory_space<hbm>>) target(%dma_start3A_395 : memref<128x128xf32, #tpu.memory_space<vmem>>) offsets(%dma_start3A_398 : memref<128xi32, #tpu.memory_space<vmem>>) semaphore(%dma_start3A_403 : memref<!tpu.dma_semaphore, #tpu.memory_space<semaphore_mem>>)
      } else {
      }
      %add3A_323 = arith.constant 3 : i32
      %add3A_324 = arith.addi %mul3A_131, %add3A_323 : i32
      %dma_wait3A_325 = arith.constant 0 : i32
      %dma_wait3A_326 = arith.constant 3 : i32
      %dma_wait3A_327 = arith.constant 3 : i32
      %dma_wait3A_328 = arith.constant 0 : i32
      %dma_wait3A_329 = arith.constant 0 : i32
      %dma_wait3A_330 = tpu.memref_slice %arg6[%dma_wait3A_326, %dma_wait3A_328, %dma_wait3A_329] : memref<4x128x128xf32, #tpu.memory_space<vmem>> -> memref<1x128x128xf32, #tpu.memory_space<vmem>>
      %dma_wait3A_331 = tpu.memref_squeeze %dma_wait3A_330 : memref<1x128x128xf32, #tpu.memory_space<vmem>> -> memref<128x128xf32, #tpu.memory_space<vmem>>
      %dma_wait3A_332 = arith.constant 0 : i32
      %dma_wait3A_333 = tpu.memref_slice %arg5[%dma_wait3A_325, %dma_wait3A_332] : memref<200x128xi32, #tpu.memory_space<vmem>> -> memref<1x128xi32, #tpu.memory_space<vmem>>
      %dma_wait3A_334 = tpu.memref_squeeze %dma_wait3A_333 : memref<1x128xi32, #tpu.memory_space<vmem>> -> memref<128xi32, #tpu.memory_space<vmem>>
      %dma_wait3A_335 = arith.constant 0 : i32
      %dma_wait3A_336 = arith.constant 0 : i32
      %dma_wait3A_337 = tpu.memref_slice %arg2[%dma_wait3A_335, %dma_wait3A_336] : memref<100000x128xf32, #tpu.memory_space<hbm>> -> memref<100000x128xf32, #tpu.memory_space<hbm>>
      %dma_wait3A_338 = tpu.memref_slice %arg8[%dma_wait3A_327] : memref<4x!tpu.dma_semaphore, #tpu.memory_space<semaphore_mem>> -> memref<1x!tpu.dma_semaphore, #tpu.memory_space<semaphore_mem>>
      %dma_wait3A_339 = tpu.memref_squeeze %dma_wait3A_338 : memref<1x!tpu.dma_semaphore, #tpu.memory_space<semaphore_mem>> -> memref<!tpu.dma_semaphore, #tpu.memory_space<semaphore_mem>>
      tpu.wait_indirect_dma semaphore(%dma_wait3A_339 : memref<!tpu.dma_semaphore, #tpu.memory_space<semaphore_mem>>) src(%dma_wait3A_337 : memref<100000x128xf32, #tpu.memory_space<hbm>>) dst(%dma_wait3A_331 : memref<128x128xf32, #tpu.memory_space<vmem>>)
      %ge3A_340 = arith.constant 2 : i32
      %ge3A_341 = arith.cmpi sge, %add3A_324, %ge3A_340 : i32
      %convert_element_type3A_342 = arith.extui %ge3A_341 : i1 to i32
      %cond3A_343 = arith.constant 0 : i32
      %cond3A_344 = arith.cmpi ne, %convert_element_type3A_342, %cond3A_343 : i32
      scf.if %cond3A_344 {
        %dma_wait3A_388 = arith.constant 0 : i32
        %dma_wait3A_389 = arith.constant 1 : i32
        %dma_wait3A_390 = tpu.memref_slice %arg10[%dma_wait3A_389] : memref<2x!tpu.dma_semaphore, #tpu.memory_space<semaphore_mem>> -> memref<1x!tpu.dma_semaphore, #tpu.memory_space<semaphore_mem>>
        %dma_wait3A_391 = tpu.memref_squeeze %dma_wait3A_390 : memref<1x!tpu.dma_semaphore, #tpu.memory_space<semaphore_mem>> -> memref<!tpu.dma_semaphore, #tpu.memory_space<semaphore_mem>>
        %dma_wait3A_392 = arith.constant 0 : i32
        %dma_wait3A_393 = tpu.memref_slice %arg4[%mul3A_2, %dma_wait3A_392] : memref<819200x128xf32, #tpu.memory_space<hbm>> -> memref<128x128xf32, #tpu.memory_space<hbm>>
        %dma_wait3A_394 = arith.constant 0 : i32
        %dma_wait3A_395 = arith.constant 0 : i32
        %dma_wait3A_396 = arith.constant 0 : i32
        %dma_wait3A_397 = tpu.memref_slice %arg7[%arg1, %dma_wait3A_394, %dma_wait3A_395, %dma_wait3A_396] : memref<16x2x128x128xf32, #tpu.memory_space<vmem_shared>> -> memref<1x2x128x128xf32, #tpu.memory_space<vmem_shared>>
        %dma_wait3A_398 = tpu.memref_squeeze %dma_wait3A_397 : memref<1x2x128x128xf32, #tpu.memory_space<vmem_shared>> -> memref<2x128x128xf32, #tpu.memory_space<vmem_shared>>
        %dma_wait3A_399 = arith.constant 0 : i32
        %dma_wait3A_400 = arith.constant 0 : i32
        %dma_wait3A_401 = tpu.memref_slice %dma_wait3A_398[%dma_wait3A_388, %dma_wait3A_399, %dma_wait3A_400] : memref<2x128x128xf32, #tpu.memory_space<vmem_shared>> -> memref<1x128x128xf32, #tpu.memory_space<vmem_shared>>
        %dma_wait3A_402 = tpu.memref_squeeze %dma_wait3A_401 : memref<1x128x128xf32, #tpu.memory_space<vmem_shared>> -> memref<128x128xf32, #tpu.memory_space<vmem_shared>>
        tpu.wait_dma2 semaphore(%dma_wait3A_391 : memref<!tpu.dma_semaphore, #tpu.memory_space<semaphore_mem>>) src(%dma_wait3A_402 : memref<128x128xf32, #tpu.memory_space<vmem_shared>>) dst(%dma_wait3A_393 : memref<128x128xf32, #tpu.memory_space<hbm>>)
      } else {
      }
      %dma_start3A_345 = arith.constant 3 : i32
      %dma_start3A_346 = arith.constant 1 : i32
      %dma_start3A_347 = arith.constant 1 : i32
      %dma_start3A_348 = arith.constant 0 : i32
      %dma_start3A_349 = arith.constant 0 : i32
      %dma_start3A_350 = tpu.memref_slice %arg6[%dma_start3A_345, %dma_start3A_348, %dma_start3A_349] : memref<4x128x128xf32, #tpu.memory_space<vmem>> -> memref<1x128x128xf32, #tpu.memory_space<vmem>>
      %dma_start3A_351 = tpu.memref_squeeze %dma_start3A_350 : memref<1x128x128xf32, #tpu.memory_space<vmem>> -> memref<128x128xf32, #tpu.memory_space<vmem>>
      %dma_start3A_352 = arith.constant 0 : i32
      %dma_start3A_353 = arith.constant 0 : i32
      %dma_start3A_354 = arith.constant 0 : i32
      %dma_start3A_355 = tpu.memref_slice %arg7[%arg1, %dma_start3A_352, %dma_start3A_353, %dma_start3A_354] : memref<16x2x128x128xf32, #tpu.memory_space<vmem_shared>> -> memref<1x2x128x128xf32, #tpu.memory_space<vmem_shared>>
      %dma_start3A_356 = tpu.memref_squeeze %dma_start3A_355 : memref<1x2x128x128xf32, #tpu.memory_space<vmem_shared>> -> memref<2x128x128xf32, #tpu.memory_space<vmem_shared>>
      %dma_start3A_357 = arith.constant 0 : i32
      %dma_start3A_358 = arith.constant 0 : i32
      %dma_start3A_359 = tpu.memref_slice %dma_start3A_356[%dma_start3A_346, %dma_start3A_357, %dma_start3A_358] : memref<2x128x128xf32, #tpu.memory_space<vmem_shared>> -> memref<1x128x128xf32, #tpu.memory_space<vmem_shared>>
      %dma_start3A_360 = tpu.memref_squeeze %dma_start3A_359 : memref<1x128x128xf32, #tpu.memory_space<vmem_shared>> -> memref<128x128xf32, #tpu.memory_space<vmem_shared>>
      %dma_start3A_361 = tpu.memref_slice %arg9[%dma_start3A_347] : memref<2x!tpu.dma_semaphore, #tpu.memory_space<semaphore_mem>> -> memref<1x!tpu.dma_semaphore, #tpu.memory_space<semaphore_mem>>
      %dma_start3A_362 = tpu.memref_squeeze %dma_start3A_361 : memref<1x!tpu.dma_semaphore, #tpu.memory_space<semaphore_mem>> -> memref<!tpu.dma_semaphore, #tpu.memory_space<semaphore_mem>>
      %dma_start3A_363 = arith.constant 0 : i32
      %dma_start3A_364 = arith.constant 0 : i32
      %dma_start3A_365 = arith.constant 0 : i32
      %dma_start3A_366 = tpu.memref_slice %arg7[%arg1, %dma_start3A_363, %dma_start3A_364, %dma_start3A_365] : memref<16x2x128x128xf32, #tpu.memory_space<vmem_shared>> -> memref<1x2x128x128xf32, #tpu.memory_space<vmem_shared>>
      %dma_start3A_367 = tpu.memref_squeeze %dma_start3A_366 : memref<1x2x128x128xf32, #tpu.memory_space<vmem_shared>> -> memref<2x128x128xf32, #tpu.memory_space<vmem_shared>>
      %dma_start3A_368 = arith.constant 0 : i32
      %dma_start3A_369 = arith.constant 0 : i32
      %dma_start3A_370 = tpu.memref_slice %dma_start3A_367[%dma_start3A_346, %dma_start3A_368, %dma_start3A_369] : memref<2x128x128xf32, #tpu.memory_space<vmem_shared>> -> memref<1x128x128xf32, #tpu.memory_space<vmem_shared>>
      %dma_start3A_371 = tpu.memref_squeeze %dma_start3A_370 : memref<1x128x128xf32, #tpu.memory_space<vmem_shared>> -> memref<128x128xf32, #tpu.memory_space<vmem_shared>>
      %dma_start3A_372 = arith.constant 0 : i32
      %dma_start3A_373 = arith.constant 0 : i32
      %dma_start3A_374 = tpu.memref_slice %arg6[%dma_start3A_345, %dma_start3A_372, %dma_start3A_373] : memref<4x128x128xf32, #tpu.memory_space<vmem>> -> memref<1x128x128xf32, #tpu.memory_space<vmem>>
      %dma_start3A_375 = tpu.memref_squeeze %dma_start3A_374 : memref<1x128x128xf32, #tpu.memory_space<vmem>> -> memref<128x128xf32, #tpu.memory_space<vmem>>
      tpu.enqueue_dma source(%dma_start3A_375 : memref<128x128xf32, #tpu.memory_space<vmem>>) target(%dma_start3A_371 : memref<128x128xf32, #tpu.memory_space<vmem_shared>>) target_semaphore(%dma_start3A_362 : memref<!tpu.dma_semaphore, #tpu.memory_space<semaphore_mem>>)
      %ge3A_376 = arith.constant 1 : i32
      %ge3A_377 = arith.cmpi sge, %add3A_324, %ge3A_376 : i32
      %convert_element_type3A_378 = arith.extui %ge3A_377 : i1 to i32
      %cond3A_379 = arith.constant 0 : i32
      %cond3A_380 = arith.cmpi ne, %convert_element_type3A_378, %cond3A_379 : i32
      scf.if %cond3A_380 {
        %dma_wait3A_388 = arith.constant 0 : i32
        %dma_wait3A_389 = arith.constant 0 : i32
        %dma_wait3A_390 = arith.constant 0 : i32
        %dma_wait3A_391 = arith.constant 0 : i32
        %dma_wait3A_392 = arith.constant 0 : i32
        %dma_wait3A_393 = tpu.memref_slice %arg6[%dma_wait3A_388, %dma_wait3A_391, %dma_wait3A_392] : memref<4x128x128xf32, #tpu.memory_space<vmem>> -> memref<1x128x128xf32, #tpu.memory_space<vmem>>
        %dma_wait3A_394 = tpu.memref_squeeze %dma_wait3A_393 : memref<1x128x128xf32, #tpu.memory_space<vmem>> -> memref<128x128xf32, #tpu.memory_space<vmem>>
        %dma_wait3A_395 = arith.constant 0 : i32
        %dma_wait3A_396 = arith.constant 0 : i32
        %dma_wait3A_397 = arith.constant 0 : i32
        %dma_wait3A_398 = tpu.memref_slice %arg7[%arg1, %dma_wait3A_395, %dma_wait3A_396, %dma_wait3A_397] : memref<16x2x128x128xf32, #tpu.memory_space<vmem_shared>> -> memref<1x2x128x128xf32, #tpu.memory_space<vmem_shared>>
        %dma_wait3A_399 = tpu.memref_squeeze %dma_wait3A_398 : memref<1x2x128x128xf32, #tpu.memory_space<vmem_shared>> -> memref<2x128x128xf32, #tpu.memory_space<vmem_shared>>
        %dma_wait3A_400 = arith.constant 0 : i32
        %dma_wait3A_401 = arith.constant 0 : i32
        %dma_wait3A_402 = tpu.memref_slice %dma_wait3A_399[%dma_wait3A_389, %dma_wait3A_400, %dma_wait3A_401] : memref<2x128x128xf32, #tpu.memory_space<vmem_shared>> -> memref<1x128x128xf32, #tpu.memory_space<vmem_shared>>
        %dma_wait3A_403 = tpu.memref_squeeze %dma_wait3A_402 : memref<1x128x128xf32, #tpu.memory_space<vmem_shared>> -> memref<128x128xf32, #tpu.memory_space<vmem_shared>>
        %dma_wait3A_404 = tpu.memref_slice %arg9[%dma_wait3A_390] : memref<2x!tpu.dma_semaphore, #tpu.memory_space<semaphore_mem>> -> memref<1x!tpu.dma_semaphore, #tpu.memory_space<semaphore_mem>>
        %dma_wait3A_405 = tpu.memref_squeeze %dma_wait3A_404 : memref<1x!tpu.dma_semaphore, #tpu.memory_space<semaphore_mem>> -> memref<!tpu.dma_semaphore, #tpu.memory_space<semaphore_mem>>
        %dma_wait3A_406 = arith.constant 0 : i32
        %dma_wait3A_407 = arith.constant 0 : i32
        %dma_wait3A_408 = arith.constant 0 : i32
        %dma_wait3A_409 = tpu.memref_slice %arg7[%arg1, %dma_wait3A_406, %dma_wait3A_407, %dma_wait3A_408] : memref<16x2x128x128xf32, #tpu.memory_space<vmem_shared>> -> memref<1x2x128x128xf32, #tpu.memory_space<vmem_shared>>
        %dma_wait3A_410 = tpu.memref_squeeze %dma_wait3A_409 : memref<1x2x128x128xf32, #tpu.memory_space<vmem_shared>> -> memref<2x128x128xf32, #tpu.memory_space<vmem_shared>>
        %dma_wait3A_411 = arith.constant 0 : i32
        %dma_wait3A_412 = arith.constant 0 : i32
        %dma_wait3A_413 = tpu.memref_slice %dma_wait3A_410[%dma_wait3A_389, %dma_wait3A_411, %dma_wait3A_412] : memref<2x128x128xf32, #tpu.memory_space<vmem_shared>> -> memref<1x128x128xf32, #tpu.memory_space<vmem_shared>>
        %dma_wait3A_414 = tpu.memref_squeeze %dma_wait3A_413 : memref<1x128x128xf32, #tpu.memory_space<vmem_shared>> -> memref<128x128xf32, #tpu.memory_space<vmem_shared>>
        %dma_wait3A_415 = arith.constant 0 : i32
        %dma_wait3A_416 = arith.constant 0 : i32
        %dma_wait3A_417 = tpu.memref_slice %arg6[%dma_wait3A_388, %dma_wait3A_415, %dma_wait3A_416] : memref<4x128x128xf32, #tpu.memory_space<vmem>> -> memref<1x128x128xf32, #tpu.memory_space<vmem>>
        %dma_wait3A_418 = tpu.memref_squeeze %dma_wait3A_417 : memref<1x128x128xf32, #tpu.memory_space<vmem>> -> memref<128x128xf32, #tpu.memory_space<vmem>>
        tpu.wait_dma2 semaphore(%dma_wait3A_405 : memref<!tpu.dma_semaphore, #tpu.memory_space<semaphore_mem>>) src(%dma_wait3A_418 : memref<128x128xf32, #tpu.memory_space<vmem>>) dst(%dma_wait3A_414 : memref<128x128xf32, #tpu.memory_space<vmem_shared>>)
        %sub3A = arith.constant 1 : i32
        %sub3A_419 = arith.subi %add3A_324, %sub3A : i32
        %mul3A_420 = arith.constant 128 : i32
        %mul3A_421 = arith.muli %sub3A_419, %mul3A_420 : i32
        %add3A_422 = arith.addi %mul3A_2, %mul3A_421 : i32
        %dma_start3A_423 = arith.constant 0 : i32
        %dma_start3A_424 = arith.constant 0 : i32
        %dma_start3A_425 = tpu.memref_slice %arg10[%dma_start3A_424] : memref<2x!tpu.dma_semaphore, #tpu.memory_space<semaphore_mem>> -> memref<1x!tpu.dma_semaphore, #tpu.memory_space<semaphore_mem>>
        %dma_start3A_426 = tpu.memref_squeeze %dma_start3A_425 : memref<1x!tpu.dma_semaphore, #tpu.memory_space<semaphore_mem>> -> memref<!tpu.dma_semaphore, #tpu.memory_space<semaphore_mem>>
        %dma_start3A_427 = arith.constant 0 : i32
        %dma_start3A_428 = tpu.memref_slice %arg4[%add3A_422, %dma_start3A_427] : memref<819200x128xf32, #tpu.memory_space<hbm>> -> memref<128x128xf32, #tpu.memory_space<hbm>>
        %dma_start3A_429 = arith.constant 0 : i32
        %dma_start3A_430 = arith.constant 0 : i32
        %dma_start3A_431 = arith.constant 0 : i32
        %dma_start3A_432 = tpu.memref_slice %arg7[%arg1, %dma_start3A_429, %dma_start3A_430, %dma_start3A_431] : memref<16x2x128x128xf32, #tpu.memory_space<vmem_shared>> -> memref<1x2x128x128xf32, #tpu.memory_space<vmem_shared>>
        %dma_start3A_433 = tpu.memref_squeeze %dma_start3A_432 : memref<1x2x128x128xf32, #tpu.memory_space<vmem_shared>> -> memref<2x128x128xf32, #tpu.memory_space<vmem_shared>>
        %dma_start3A_434 = arith.constant 0 : i32
        %dma_start3A_435 = arith.constant 0 : i32
        %dma_start3A_436 = tpu.memref_slice %dma_start3A_433[%dma_start3A_423, %dma_start3A_434, %dma_start3A_435] : memref<2x128x128xf32, #tpu.memory_space<vmem_shared>> -> memref<1x128x128xf32, #tpu.memory_space<vmem_shared>>
        %dma_start3A_437 = tpu.memref_squeeze %dma_start3A_436 : memref<1x128x128xf32, #tpu.memory_space<vmem_shared>> -> memref<128x128xf32, #tpu.memory_space<vmem_shared>>
        tpu.enqueue_dma source(%dma_start3A_437 : memref<128x128xf32, #tpu.memory_space<vmem_shared>>) target(%dma_start3A_428 : memref<128x128xf32, #tpu.memory_space<hbm>>) target_semaphore(%dma_start3A_426 : memref<!tpu.dma_semaphore, #tpu.memory_space<semaphore_mem>>)
      } else {
      }
      %add3A_381 = arith.constant 3 : i32
      %add3A_382 = arith.addi %add3A_324, %add3A_381 : i32
      %lt3A_383 = arith.constant 200 : i32
      %lt3A_384 = arith.cmpi slt, %add3A_382, %lt3A_383 : i32
      %convert_element_type3A_385 = arith.extui %lt3A_384 : i1 to i32
      %cond3A_386 = arith.constant 0 : i32
      %cond3A_387 = arith.cmpi ne, %convert_element_type3A_385, %cond3A_386 : i32
      scf.if %cond3A_387 {
        %add3A_388 = arith.constant 3 : i32
        %add3A_389 = arith.addi %add3A_324, %add3A_388 : i32
        %dma_start3A_390 = arith.constant 2 : i32
        %dma_start3A_391 = arith.constant 2 : i32
        %dma_start3A_392 = arith.constant 0 : i32
        %dma_start3A_393 = arith.constant 0 : i32
        %dma_start3A_394 = tpu.memref_slice %arg6[%dma_start3A_390, %dma_start3A_392, %dma_start3A_393] : memref<4x128x128xf32, #tpu.memory_space<vmem>> -> memref<1x128x128xf32, #tpu.memory_space<vmem>>
        %dma_start3A_395 = tpu.memref_squeeze %dma_start3A_394 : memref<1x128x128xf32, #tpu.memory_space<vmem>> -> memref<128x128xf32, #tpu.memory_space<vmem>>
        %dma_start3A_396 = arith.constant 0 : i32
        %dma_start3A_397 = tpu.memref_slice %arg5[%add3A_389, %dma_start3A_396] : memref<200x128xi32, #tpu.memory_space<vmem>> -> memref<1x128xi32, #tpu.memory_space<vmem>>
        %dma_start3A_398 = tpu.memref_squeeze %dma_start3A_397 : memref<1x128xi32, #tpu.memory_space<vmem>> -> memref<128xi32, #tpu.memory_space<vmem>>
        %dma_start3A_399 = arith.constant 0 : i32
        %dma_start3A_400 = arith.constant 0 : i32
        %dma_start3A_401 = tpu.memref_slice %arg2[%dma_start3A_399, %dma_start3A_400] : memref<100000x128xf32, #tpu.memory_space<hbm>> -> memref<100000x128xf32, #tpu.memory_space<hbm>>
        %dma_start3A_402 = tpu.memref_slice %arg8[%dma_start3A_391] : memref<4x!tpu.dma_semaphore, #tpu.memory_space<semaphore_mem>> -> memref<1x!tpu.dma_semaphore, #tpu.memory_space<semaphore_mem>>
        %dma_start3A_403 = tpu.memref_squeeze %dma_start3A_402 : memref<1x!tpu.dma_semaphore, #tpu.memory_space<semaphore_mem>> -> memref<!tpu.dma_semaphore, #tpu.memory_space<semaphore_mem>>
        tpu.enqueue_indirect_dma source(%dma_start3A_401 : memref<100000x128xf32, #tpu.memory_space<hbm>>) target(%dma_start3A_395 : memref<128x128xf32, #tpu.memory_space<vmem>>) offsets(%dma_start3A_398 : memref<128xi32, #tpu.memory_space<vmem>>) semaphore(%dma_start3A_403 : memref<!tpu.dma_semaphore, #tpu.memory_space<semaphore_mem>>)
      } else {
      }
    }
    %scan3A_51 = arith.constant 50 : i32
    %dma_wait3A = arith.constant 0 : i32
    %dma_wait3A_52 = arith.constant 1 : i32
    %dma_wait3A_53 = arith.constant 1 : i32
    %dma_wait3A_54 = arith.constant 0 : i32
    %dma_wait3A_55 = arith.constant 0 : i32
    %dma_wait3A_56 = tpu.memref_slice %arg6[%dma_wait3A, %dma_wait3A_54, %dma_wait3A_55] : memref<4x128x128xf32, #tpu.memory_space<vmem>> -> memref<1x128x128xf32, #tpu.memory_space<vmem>>
    %dma_wait3A_57 = tpu.memref_squeeze %dma_wait3A_56 : memref<1x128x128xf32, #tpu.memory_space<vmem>> -> memref<128x128xf32, #tpu.memory_space<vmem>>
    %dma_wait3A_58 = arith.constant 0 : i32
    %dma_wait3A_59 = arith.constant 0 : i32
    %dma_wait3A_60 = arith.constant 0 : i32
    %dma_wait3A_61 = tpu.memref_slice %arg7[%arg1, %dma_wait3A_58, %dma_wait3A_59, %dma_wait3A_60] : memref<16x2x128x128xf32, #tpu.memory_space<vmem_shared>> -> memref<1x2x128x128xf32, #tpu.memory_space<vmem_shared>>
    %dma_wait3A_62 = tpu.memref_squeeze %dma_wait3A_61 : memref<1x2x128x128xf32, #tpu.memory_space<vmem_shared>> -> memref<2x128x128xf32, #tpu.memory_space<vmem_shared>>
    %dma_wait3A_63 = arith.constant 0 : i32
    %dma_wait3A_64 = arith.constant 0 : i32
    %dma_wait3A_65 = tpu.memref_slice %dma_wait3A_62[%dma_wait3A_52, %dma_wait3A_63, %dma_wait3A_64] : memref<2x128x128xf32, #tpu.memory_space<vmem_shared>> -> memref<1x128x128xf32, #tpu.memory_space<vmem_shared>>
    %dma_wait3A_66 = tpu.memref_squeeze %dma_wait3A_65 : memref<1x128x128xf32, #tpu.memory_space<vmem_shared>> -> memref<128x128xf32, #tpu.memory_space<vmem_shared>>
    %dma_wait3A_67 = tpu.memref_slice %arg9[%dma_wait3A_53] : memref<2x!tpu.dma_semaphore, #tpu.memory_space<semaphore_mem>> -> memref<1x!tpu.dma_semaphore, #tpu.memory_space<semaphore_mem>>
    %dma_wait3A_68 = tpu.memref_squeeze %dma_wait3A_67 : memref<1x!tpu.dma_semaphore, #tpu.memory_space<semaphore_mem>> -> memref<!tpu.dma_semaphore, #tpu.memory_space<semaphore_mem>>
    %dma_wait3A_69 = arith.constant 0 : i32
    %dma_wait3A_70 = arith.constant 0 : i32
    %dma_wait3A_71 = arith.constant 0 : i32
    %dma_wait3A_72 = tpu.memref_slice %arg7[%arg1, %dma_wait3A_69, %dma_wait3A_70, %dma_wait3A_71] : memref<16x2x128x128xf32, #tpu.memory_space<vmem_shared>> -> memref<1x2x128x128xf32, #tpu.memory_space<vmem_shared>>
    %dma_wait3A_73 = tpu.memref_squeeze %dma_wait3A_72 : memref<1x2x128x128xf32, #tpu.memory_space<vmem_shared>> -> memref<2x128x128xf32, #tpu.memory_space<vmem_shared>>
    %dma_wait3A_74 = arith.constant 0 : i32
    %dma_wait3A_75 = arith.constant 0 : i32
    %dma_wait3A_76 = tpu.memref_slice %dma_wait3A_73[%dma_wait3A_52, %dma_wait3A_74, %dma_wait3A_75] : memref<2x128x128xf32, #tpu.memory_space<vmem_shared>> -> memref<1x128x128xf32, #tpu.memory_space<vmem_shared>>
    %dma_wait3A_77 = tpu.memref_squeeze %dma_wait3A_76 : memref<1x128x128xf32, #tpu.memory_space<vmem_shared>> -> memref<128x128xf32, #tpu.memory_space<vmem_shared>>
    %dma_wait3A_78 = arith.constant 0 : i32
    %dma_wait3A_79 = arith.constant 0 : i32
    %dma_wait3A_80 = tpu.memref_slice %arg6[%dma_wait3A, %dma_wait3A_78, %dma_wait3A_79] : memref<4x128x128xf32, #tpu.memory_space<vmem>> -> memref<1x128x128xf32, #tpu.memory_space<vmem>>
    %dma_wait3A_81 = tpu.memref_squeeze %dma_wait3A_80 : memref<1x128x128xf32, #tpu.memory_space<vmem>> -> memref<128x128xf32, #tpu.memory_space<vmem>>
    tpu.wait_dma2 semaphore(%dma_wait3A_68 : memref<!tpu.dma_semaphore, #tpu.memory_space<semaphore_mem>>) src(%dma_wait3A_81 : memref<128x128xf32, #tpu.memory_space<vmem>>) dst(%dma_wait3A_77 : memref<128x128xf32, #tpu.memory_space<vmem_shared>>)
    %add3A_82 = arith.constant 25472 : i32
    %add3A_83 = arith.addi %mul3A_2, %add3A_82 : i32
    %dma_start3A_84 = arith.constant 1 : i32
    %dma_start3A_85 = arith.constant 1 : i32
    %dma_start3A_86 = tpu.memref_slice %arg10[%dma_start3A_85] : memref<2x!tpu.dma_semaphore, #tpu.memory_space<semaphore_mem>> -> memref<1x!tpu.dma_semaphore, #tpu.memory_space<semaphore_mem>>
    %dma_start3A_87 = tpu.memref_squeeze %dma_start3A_86 : memref<1x!tpu.dma_semaphore, #tpu.memory_space<semaphore_mem>> -> memref<!tpu.dma_semaphore, #tpu.memory_space<semaphore_mem>>
    %dma_start3A_88 = arith.constant 0 : i32
    %dma_start3A_89 = tpu.memref_slice %arg4[%add3A_83, %dma_start3A_88] : memref<819200x128xf32, #tpu.memory_space<hbm>> -> memref<128x128xf32, #tpu.memory_space<hbm>>
    %dma_start3A_90 = arith.constant 0 : i32
    %dma_start3A_91 = arith.constant 0 : i32
    %dma_start3A_92 = arith.constant 0 : i32
    %dma_start3A_93 = tpu.memref_slice %arg7[%arg1, %dma_start3A_90, %dma_start3A_91, %dma_start3A_92] : memref<16x2x128x128xf32, #tpu.memory_space<vmem_shared>> -> memref<1x2x128x128xf32, #tpu.memory_space<vmem_shared>>
    %dma_start3A_94 = tpu.memref_squeeze %dma_start3A_93 : memref<1x2x128x128xf32, #tpu.memory_space<vmem_shared>> -> memref<2x128x128xf32, #tpu.memory_space<vmem_shared>>
    %dma_start3A_95 = arith.constant 0 : i32
    %dma_start3A_96 = arith.constant 0 : i32
    %dma_start3A_97 = tpu.memref_slice %dma_start3A_94[%dma_start3A_84, %dma_start3A_95, %dma_start3A_96] : memref<2x128x128xf32, #tpu.memory_space<vmem_shared>> -> memref<1x128x128xf32, #tpu.memory_space<vmem_shared>>
    %dma_start3A_98 = tpu.memref_squeeze %dma_start3A_97 : memref<1x128x128xf32, #tpu.memory_space<vmem_shared>> -> memref<128x128xf32, #tpu.memory_space<vmem_shared>>
    tpu.enqueue_dma source(%dma_start3A_98 : memref<128x128xf32, #tpu.memory_space<vmem_shared>>) target(%dma_start3A_89 : memref<128x128xf32, #tpu.memory_space<hbm>>) target_semaphore(%dma_start3A_87 : memref<!tpu.dma_semaphore, #tpu.memory_space<semaphore_mem>>)
    %dma_wait3A_99 = arith.constant 0 : i32
    %dma_wait3A_100 = arith.constant 0 : i32
    %dma_wait3A_101 = tpu.memref_slice %arg10[%dma_wait3A_100] : memref<2x!tpu.dma_semaphore, #tpu.memory_space<semaphore_mem>> -> memref<1x!tpu.dma_semaphore, #tpu.memory_space<semaphore_mem>>
    %dma_wait3A_102 = tpu.memref_squeeze %dma_wait3A_101 : memref<1x!tpu.dma_semaphore, #tpu.memory_space<semaphore_mem>> -> memref<!tpu.dma_semaphore, #tpu.memory_space<semaphore_mem>>
    %dma_wait3A_103 = arith.constant 0 : i32
    %dma_wait3A_104 = tpu.memref_slice %arg4[%mul3A_2, %dma_wait3A_103] : memref<819200x128xf32, #tpu.memory_space<hbm>> -> memref<128x128xf32, #tpu.memory_space<hbm>>
    %dma_wait3A_105 = arith.constant 0 : i32
    %dma_wait3A_106 = arith.constant 0 : i32
    %dma_wait3A_107 = arith.constant 0 : i32
    %dma_wait3A_108 = tpu.memref_slice %arg7[%arg1, %dma_wait3A_105, %dma_wait3A_106, %dma_wait3A_107] : memref<16x2x128x128xf32, #tpu.memory_space<vmem_shared>> -> memref<1x2x128x128xf32, #tpu.memory_space<vmem_shared>>
    %dma_wait3A_109 = tpu.memref_squeeze %dma_wait3A_108 : memref<1x2x128x128xf32, #tpu.memory_space<vmem_shared>> -> memref<2x128x128xf32, #tpu.memory_space<vmem_shared>>
    %dma_wait3A_110 = arith.constant 0 : i32
    %dma_wait3A_111 = arith.constant 0 : i32
    %dma_wait3A_112 = tpu.memref_slice %dma_wait3A_109[%dma_wait3A_99, %dma_wait3A_110, %dma_wait3A_111] : memref<2x128x128xf32, #tpu.memory_space<vmem_shared>> -> memref<1x128x128xf32, #tpu.memory_space<vmem_shared>>
    %dma_wait3A_113 = tpu.memref_squeeze %dma_wait3A_112 : memref<1x128x128xf32, #tpu.memory_space<vmem_shared>> -> memref<128x128xf32, #tpu.memory_space<vmem_shared>>
    tpu.wait_dma2 semaphore(%dma_wait3A_102 : memref<!tpu.dma_semaphore, #tpu.memory_space<semaphore_mem>>) src(%dma_wait3A_113 : memref<128x128xf32, #tpu.memory_space<vmem_shared>>) dst(%dma_wait3A_104 : memref<128x128xf32, #tpu.memory_space<hbm>>)
    %dma_wait3A_114 = arith.constant 0 : i32
    %dma_wait3A_115 = arith.constant 1 : i32
    %dma_wait3A_116 = tpu.memref_slice %arg10[%dma_wait3A_115] : memref<2x!tpu.dma_semaphore, #tpu.memory_space<semaphore_mem>> -> memref<1x!tpu.dma_semaphore, #tpu.memory_space<semaphore_mem>>
    %dma_wait3A_117 = tpu.memref_squeeze %dma_wait3A_116 : memref<1x!tpu.dma_semaphore, #tpu.memory_space<semaphore_mem>> -> memref<!tpu.dma_semaphore, #tpu.memory_space<semaphore_mem>>
    %dma_wait3A_118 = arith.constant 0 : i32
    %dma_wait3A_119 = tpu.memref_slice %arg4[%mul3A_2, %dma_wait3A_118] : memref<819200x128xf32, #tpu.memory_space<hbm>> -> memref<128x128xf32, #tpu.memory_space<hbm>>
    %dma_wait3A_120 = arith.constant 0 : i32
    %dma_wait3A_121 = arith.constant 0 : i32
    %dma_wait3A_122 = arith.constant 0 : i32
    %dma_wait3A_123 = tpu.memref_slice %arg7[%arg1, %dma_wait3A_120, %dma_wait3A_121, %dma_wait3A_122] : memref<16x2x128x128xf32, #tpu.memory_space<vmem_shared>> -> memref<1x2x128x128xf32, #tpu.memory_space<vmem_shared>>
    %dma_wait3A_124 = tpu.memref_squeeze %dma_wait3A_123 : memref<1x2x128x128xf32, #tpu.memory_space<vmem_shared>> -> memref<2x128x128xf32, #tpu.memory_space<vmem_shared>>
    %dma_wait3A_125 = arith.constant 0 : i32
    %dma_wait3A_126 = arith.constant 0 : i32
    %dma_wait3A_127 = tpu.memref_slice %dma_wait3A_124[%dma_wait3A_114, %dma_wait3A_125, %dma_wait3A_126] : memref<2x128x128xf32, #tpu.memory_space<vmem_shared>> -> memref<1x128x128xf32, #tpu.memory_space<vmem_shared>>
    %dma_wait3A_128 = tpu.memref_squeeze %dma_wait3A_127 : memref<1x128x128xf32, #tpu.memory_space<vmem_shared>> -> memref<128x128xf32, #tpu.memory_space<vmem_shared>>
    tpu.wait_dma2 semaphore(%dma_wait3A_117 : memref<!tpu.dma_semaphore, #tpu.memory_space<semaphore_mem>>) src(%dma_wait3A_128 : memref<128x128xf32, #tpu.memory_space<vmem_shared>>) dst(%dma_wait3A_119 : memref<128x128xf32, #tpu.memory_space<hbm>>)
    return
  }
}

</mosaic_0001>

<sc_bundles>
// kernel: kernel.3.cloned.1.call-start
scs
__scs_entry_jumppad:
0x0: {  	(pc) =	sbr.rel $0x88, $3  }
0x1: {  	(tag) =	ssettag $0x0;
	lr =	simm.s32 $0x1  }
0x2: {  	[smem:$0x3F9F] =	sst lr;
	_ =	strace $0xD0000000  }
0x3: {  	_ = 	snop  }
0x4: {  	_ = 	snop  }
0x5: {  	_ = 	snop  }
0x6: {  	_ = 	snop  }
0x7: {  	_ = 	snop  }
__scs_overlays_trampoline_lowered:
0x8: {  	[smem:$0x3FAE] =	sst s0  }
0x9: {  	[smem:$0x3FAF] =	sst s1  }
0xa: {  	[smem:$0x3FB0] =	sst s2  }
0xb: {  	[smem:$0x3FB1] =	sst s3  }
0xc: {  	[smem:$0x3FB2] =	sst s4  }
0xd: {  	[smem:$0x3FB3] =	sst s5  }
0xe: {  	[smem:$0x3FB4] =	sst s6  }
0xf: {  	[smem:$0x3FB5] =	sst s7  }
0x10: {  	[smem:$0x3FB6] =	sst s8  }
0x11: {  	[smem:$0x3FB7] =	sst s9;
	s0 =	simm.s32 @!p0 $0x0  }
0x12: {  	s1 =	sld [smem:$0x3F9D];
	s0 =	simm.s32 @p0 $0x1  }
0x13: {  	[smem:$0x3FB8] =	sst s0;
	s0 =	simm.s32 @!p1 $0x0  }
0x14: {  	s2 =	sld [smem:$0x3F9C];
	s0 =	simm.s32 @p1 $0x1  }
0x15: {  	[smem:$0x3FB9] =	sst s0;
	s0 =	simm.s32 @!p2 $0x0  }
0x16: {  	s3 =	sld [smem:$0x3FDB];
	s0 =	simm.s32 @p2 $0x1  }
0x17: {  	s4 =	simm.s32 $0x1BF5;
	[smem:$0x3FBB] =	sst s0  }
0x18: {  	s0 =	sld [smem:$0x3F9E];
	_ =	swait.ge [sflag:s4], $0x0  }
0x19: {  	s7 =	sld [smem:$0x3F9F]  }
0x1a: {  	s8 =	sadd.s32 $0xFFFFE003, lr  }
0x1b: {  	s9 =	sadd.s32 $0xFFFFFEF7, lr;
	s5 =	simm.s32 $0xFFFFFFFF;
	p2 =	slt.u32 s8, $0xFFFFF086  }
0x1c: {  	p1 =	slt.u32 s9, $0xF7A;
	s5 =	simm.s32 @!p2 $0x0  }
0x1d: {  	s5 =	simm.s32 @p1 $0x1;
	p0 =	seq.s32 s7, s2  }
0x1e: {  	s7 =	smul.u32 @!p0 $0xF7A, s2;
	p2 =	seq.s32 @!p0 s5, $0x0  }
0x1f: {  	s9 =	smul.u32 $0xF7A, s1;
	s8 =	simm.s32 @!p0 $0x1BF5;
	p2 =	por !p2, p0  }
0x20: {  	[sflag:s8] =	ssyncset.s32 @!p0 $0xFFFFF086;
	s6 =	sadd.s32 @!p0 s3, s7;
	s7 =	simm.s32 @!p0 $0x108  }
0x21: {  	s3 =	sadd.s32 s3, s9;
	s6 =	sadd.s32 @!p0 $0x88, s6;
	s7 =	simm.s32 @p2 $0x1082  }
0x22: {  	[simem:s7], [sflag:s8] =	dma.local @!p0 [hbm:s6], $0xF7A  }
0x23: {  	s9 =	sor.u32 $0xD0000000, s2;
	s6 =	simm.s32 $0x108;
	_ =	swait.ge @!p0 [sflag:s8], $0x0  }
0x24: {  	s3 =	sadd.s32 $0x88, s3;
	s6 =	simm.s32 @!p1 $0x1082;
	[sflag:s4] =	ssyncset.s32 $0xFFFFF086  }
0x25: {  	[simem:s6], [sflag:s4] =	dma.local [hbm:s3], $0xF7A  }
0x26: {  	[smem:$0x3F9F] =	sst s1;
	(tag) =	ssettag s2;
	_ =	strace s9  }
0x27: {  	s1 =	sld [smem:$0x3FAF]  }
0x28: {  	s2 =	sld [smem:$0x3FB0]  }
0x29: {  	s4 =	sld [smem:$0x3FB2]  }
0x2a: {  	p0 =	seq.s32 s5, $0x0;
	s5 =	sld [smem:$0x3FB3]  }
0x2b: {  	s6 =	sld [smem:$0x3FB4]  }
0x2c: {  	s7 =	sld [smem:$0x3FB5]  }
0x2d: {  	s3 =	simm.s32 $0x108;
	s8 =	sld [smem:$0x3FB6]  }
0x2e: {  	s3 =	simm.s32 @!p0 $0x1082;
	s9 =	sld [smem:$0x3FB7]  }
0x2f: {  	lr =	sadd.s32 s0, s3;
	s0 =	sld [smem:$0x3FAE]  }
0x30: {  	s3 =	sld [smem:$0x3FB1]  }
0x31: {  	[smem:$0x3FBA] =	sst s10  }
0x32: {  	s10 =	sld [smem:$0x3FB8];
	_ =	sdelay $0x3  }
0x33: {  	p0 =	seq.s32 s10, $0x1;
	s10 =	sld [smem:$0x3FBA];
	_ =	sdelay $0x3  }
0x34: {  	[smem:$0x3FBA] =	sst s10  }
0x35: {  	s10 =	sld [smem:$0x3FB9];
	_ =	sdelay $0x3  }
0x36: {  	p1 =	seq.s32 s10, $0x1;
	s10 =	sld [smem:$0x3FBA];
	_ =	sdelay $0x3  }
0x37: {  	[smem:$0x3FBA] =	sst s10  }
0x38: {  	s10 =	sld [smem:$0x3FBB]  }
0x39: {  	_ = 	snop;
	(pc) =	sbr.ind lr, $3  }
0x3a: {  	_ = 	snop  }
0x3b: {  	_ = 	snop  }
0x3c: {  	p2 =	seq.s32 s10, $0x1;
	s10 =	sld [smem:$0x3FBA]  }
0x3d: {  	_ =	shalt  }
0x3e: {  	_ =	shalt  }
0x3f: {  	_ =	shalt  }
0x40: {  	_ =	shalt  }
0x41: {  	_ =	shalt  }
0x42: {  	_ =	shalt  }
0x43: {  	_ =	shalt  }
0x44: {  	_ =	shalt  }
0x45: {  	_ =	shalt  }
0x46: {  	_ =	shalt  }
0x47: {  	_ =	shalt  }
0x48: {  	_ =	shalt  }
0x49: {  	_ =	shalt  }
0x4a: {  	_ =	shalt  }
0x4b: {  	_ =	shalt  }
0x4c: {  	_ =	shalt  }
0x4d: {  	_ =	shalt  }
0x4e: {  	_ =	shalt  }
0x4f: {  	_ =	shalt  }
0x50: {  	_ =	shalt  }
0x51: {  	_ =	shalt  }
0x52: {  	_ =	shalt  }
0x53: {  	_ =	shalt  }
0x54: {  	_ =	shalt  }
0x55: {  	_ =	shalt  }
0x56: {  	_ =	shalt  }
0x57: {  	_ =	shalt  }
0x58: {  	_ =	shalt  }
0x59: {  	_ =	shalt  }
0x5a: {  	_ =	shalt  }
0x5b: {  	_ =	shalt  }
0x5c: {  	_ =	shalt  }
0x5d: {  	_ =	shalt  }
0x5e: {  	_ =	shalt  }
0x5f: {  	_ =	shalt  }
0x60: {  	_ =	shalt  }
0x61: {  	_ =	shalt  }
0x62: {  	_ =	shalt  }
0x63: {  	_ =	shalt  }
0x64: {  	_ =	shalt  }
0x65: {  	_ =	shalt  }
0x66: {  	_ =	shalt  }
0x67: {  	_ =	shalt  }
0x68: {  	_ =	shalt  }
0x69: {  	_ =	shalt  }
0x6a: {  	_ =	shalt  }
0x6b: {  	_ =	shalt  }
0x6c: {  	_ =	shalt  }
0x6d: {  	_ =	shalt  }
0x6e: {  	_ =	shalt  }
0x6f: {  	_ =	shalt  }
0x70: {  	_ =	shalt  }
0x71: {  	_ =	shalt  }
0x72: {  	_ =	shalt  }
0x73: {  	_ =	shalt  }
0x74: {  	_ =	shalt  }
0x75: {  	_ =	shalt  }
0x76: {  	_ =	shalt  }
0x77: {  	_ =	shalt  }
0x78: {  	_ =	shalt  }
0x79: {  	_ =	shalt  }
0x7a: {  	_ =	shalt  }
0x7b: {  	_ =	shalt  }
0x7c: {  	_ =	shalt  }
0x7d: {  	_ =	shalt  }
0x7e: {  	_ =	shalt  }
0x7f: {  	_ =	shalt  }
0x80: {  	_ =	shalt  }
0x81: {  	_ =	shalt  }
0x82: {  	_ =	shalt  }
0x83: {  	_ =	shalt  }
0x84: {  	_ =	shalt  }
0x85: {  	_ =	shalt  }
0x86: {  	_ =	shalt  }
0x87: {  	_ =	shalt  }
.Lfunc_end0:
.L_simem_size_0:
called_computation_lowered:
.L_overlay_start_0:
0x88: {  	s2 =	sld [smem:$0x3FD9]  }
0x89: {  	s3 =	sld [smem:$0x3FFE];
	_ =	sdelay $0x1  }
0x8a: {  	s1 =	srdreg.scid  }
0x8b: {  	s0 =	sand.u32 $0x1, s1  }
0x8c: {  	s17 =	sshll.u32 s0, $0xA;
	s2 =	sadd.s32 s3, s2  }
0x8d: {  	s2 =	sadd.s32 s2, s17  }
0x8e: {  	[smem:$0x3FC6] =	sst s2  }
0x8f: {  	_ = 	snop  }
0x90: {  	s2 =	sld [smem:$0x3FC8]  }
0x91: {  	s18 =	sld [smem:$0x3FD0];
	(tm) =	ssettm $0x1  }
0x92: {  	s4 =	sld [smem:$0x3FFB];
	_ =	sdelay $0x3  }
0x93: {  	_ =	strace s4  }
0x94: {  	s4 =	sld [smem:$0x3FFC];
	_ =	sdelay $0x3  }
0x95: {  	_ =	strace s4  }
0x96: {  	s4 =	sld [smem:$0x3FFD];
	_ =	sdelay $0x3  }
0x97: {  	_ =	strace s4  }
0x98: {  	_ =	strace $0x8FFFFFFF  }
0x99: {  	s19 =	sld [smem:$0x3FDB];
	_ =	sdelay $0x1  }
0x9a: {  	s5 =	simm.s32 $_scs_section_size  }
0x9b: {  	s6 =	simm.s32 $_size__tile_overlayer_lowered;
	s7 =	simm.s32 $_tile_overlayer_lowered  }
0x9c: {  	s22 =	simm.s32 $0x1BFF;
	s21 =	sshll.u32 s7, $0x1;
	s4 =	sadd.s32 s5, s19  }
0x9d: {  	s8 =	simm.s32 $0x0;
	s20 =	sshll.u32 s6, $0x1;
	s6 =	sadd.s32 s21, s4  }
0x9e: {  	[timem:s8], [sflag:s22] =	dma.local [hbm:s6], s20  }
0x9f: {  	_ =	swait.ge [sflag:s22], s20  }
0xa0: {  	s5 =	ssub.s32 $0x0, s20;
	[sflag:s22] =	ssyncset.done $0x0  }
0xa1: {  	[sflag:s22] =	ssyncadd.s32 s5;
	_ =	sdelay $0x1  }
0xa2: {  	s23 =	simm.s32 $0x1B8B  }
0xa3: {  	_ =	swait.ge [sflag:s23], $0x1  }
0xa4: {  	[sflag:s23] =	ssyncset.done $0x0  }
0xa5: {  	s25 =	simm.s32 $0x1B8E;
	s24 =	sld [smem:$0x3FFE];
	[sflag:s23] =	ssyncadd.s32 $0xFFFFFFFF  }
0xa6: {  	s26 =	simm.s32 $execute0_lowered;
	[smem:$0x3FD2] =	sst s25  }
0xa7: {  	s6 =	sshll.u32 s26, $0x1;
	_ =	strace $0x80000046;
	[dreg:$0x1] =	wrdreg $0xFFFFFFFF  }
0xa8: {  	s28 =	simm.s32 $_size_execute0_lowered;
	s4 =	sadd.s32 s4, s6;
	[dreg:$0x0] =	wrdreg $0x0  }
0xa9: {  	s6 =	sshll.u32 s28, $0x1;
	[dreg:$0x2] =	wrdreg s4  }
0xaa: {  	[dreg:$0x3] =	wrdreg s6  }
0xab: {  	[dreg:$0x4] =	wrdreg $0xC0  }
0xac: {  	_ =	task [dreg:s8], $0x5FFFF  }
0xad: {  	[dreg:$0x1] =	wrdreg $0xFFFFFFFF  }
0xae: {  	[dreg:$0x0] =	wrdreg $0x60  }
0xaf: {  	[dreg:$0x2] =	wrdreg s2  }
0xb0: {  	[dreg:$0x3] =	wrdreg s24  }
0xb1: {  	[dreg:$0x4] =	wrdreg s18  }
0xb2: {  	[dreg:$0x5] =	wrdreg $0x164000  }
0xb3: {  	[dreg:$0x6] =	wrdreg $0x9  }
0xb4: {  	_ =	task.clear_ibuf [dreg:s8], $0x7FFFF;
	_ =	strace $0x90000046  }
0xb5: {  	s29 =	simm.s32 $0x9;
	_ =	strace $0x80000048  }
0xb6: {  	_ =	swait.ge [sflag:s29], $0x1  }
0xb7: {  	[sflag:s29] =	ssyncadd.s32 $0xFFFFFFFF  }
0xb8: {  	_ =	strace $0x90000048  }
0xb9: {  	_ =	sfence  }
0xba: {  	s30 =	sld [smem:$0x0];
	_ =	sdelay $0x2  }
0xbb: {  	s31 =	sshll.u32 s1, $0xD;
	s1 =	sshrl.u32 s1, $0x2  }
0xbc: {  	s3 =	sand.u32 $0x4000, s31;
	s1 =	sadd.s32 s1, s30  }
0xbd: {  	s0 =	sor.u32 s3, s0;
	s1 =	sshll.u32 s1, $0x11  }
0xbe: {  	s0 =	sor.u32 s1, s0  }
0xbf: {  	s0 =	sadd.s32 $0x8F2B, s0  }
0xc0: {  	[sflag:s0] =	ssyncadd.remote.s32 $0x1  }
0xc1: {  	_ =	sfence.sel $0xFFFF  }
0xc2: {  	[dreg:$0x0] =	wrdreg $0xFFFFFFFF;
	(pc) =	sbr.abs _section_cstart, $3  }
0xc3: {  	[dreg:$0x1] =	wrdreg $0xFFFFFFFF  }
0xc4: {  	_ =	task.clear_ibuf [dreg:s8], $0x2FFFF;
	_ =	strace $0x9FFFFFFF  }
0xc5: {  	(tm) =	ssettm $0x7FFFFFFF  }
tec
execute0_lowered:
.L_overlay_start_1:
0x0: {  	(tag) =	ssettag $0x1  }
0x1: {  	s1 =	rddreg [dreg:$0x0]  }
0x2: {  	s2 =	rddreg [dreg:$0x1]  }
0x3: {  	s10 =	rddreg [dreg:$0x2];
	s3 =	srdreg.scid  }
0x4: {  	s0 =	stileid.u32;
	s5 =	rddreg [dreg:$0x3]  }
0x5: {  	s20 =	simm.s32 $0x0;
	s14 =	simm.s32 $0xA400;
	s16 =	simm.s32 $0xE400  }
0x6: {  	s17 =	simm.s32 $0x1;
	s18 =	simm.s32 $0x12400;
	s19 =	simm.s32 $0x2  }
0x7: {  	s28 =	simm.s32 $0x4;
	s29 =	simm.s32 $0x8;
	s30 =	simm.s32 $0x0  }
0x8: {  	s7 =	sand.u32 $0x1, s3;
	s4 =	sshll.u32 s0, $0x1;
	s21 =	smul.u32 $0xC8000, s0  }
0x9: {  	[smem:$0x7FF] =	sst s20;
	s22 =	sshll.u32 s0, $0xF;
	s12 =	smul.u32 $0x640000, s0  }
0xa: {  	s20 =	simm.s32 $0x5;
	s31 =	sshll.u32 s0, $0x6;
	s24 =	smul.u32 $0x320000, s7  }
0xb: {  	s4 =	sor.u32 s7, s4;
	_ =	strace $0x80000047;
	s13 =	smul.u32 $0x64000, s7  }
0xc: {  	s8 =	ssub.s32 $0x2, s7;
	s5 =	sadd.s32 s22, s5;
	s6 =	smul.u32 $0x6400, s4  }
0xd: {  	s9 =	sshrl.u32 s8, $0x1;
	s11 =	smul.u32 $0x320000, s4;
	s25 =	sadd.s32 s21, s10  }
0xe: {  	s21 =	sor.u32 $0x1C07, s31;
	s22 =	sshrl.u32 s5, $0x3;
	s8 =	ssub.s32 s8, s9  }
0xf: {  	s9 =	sadd.s32 s13, s25;
	s25 =	sor.u32 $0x1C08, s31;
	s6 =	sshrl.u32 s6, $0x3  }
0x10: {  	s23 =	sshrl.u32 s11, $0x3;
	s11 =	sadd.s32 s24, s12;
	s8 =	smax.u32 s8, $0x1  }
.Ltmp0:
0x11: {  	s12 =	simm.s32 $0x80;
	s2 =	sadd.s32 s6, s2;
	(pc) =	sbr.rel .LBB2_1-.Ltmp0, $4  }
0x12: {  	s24 =	simm.s32 $0x7;
	s6 =	sadd.s32 $0x4000, s5;
	s2 =	sadd.s32 $0x400, s2  }
0x13: {  	s26 =	sshrl.u32 s11, $0x3;
	[dreg:$0x5] =	wrdreg s2;
	s2 =	sadd.s32 s10, s23  }
0x14: {  	s11 =	simm.s32 $0x9;
	s10 =	sadd.s32 s26, s10;
	s2 =	sadd.s32 $0x63800, s2  }
0x15: {  	s23 =	simm.s32 $0x3;
	s26 =	simm.s32 $0x6;
	[dreg:$0x6] =	wrdreg s2  }
.LBB2_4:
0x16: {  	_ =	swait.ge [sflag:s26], $0x4000  }
0x17: {  	[sflag:s26] =	ssyncset.done $0x0  }
0x18: {  	s30 =	sadd.s32 $0x1, s30;
	s2 =	rddreg [dreg:$0x6];
	[sflag:s26] =	ssyncadd.s32 $0xFFFFC000  }
0x19: {  	[hbm:s2], [sflag:s25] =	dma.local [spmem:s13], $0x800  }
0x1a: {  	p0 =	sne.s32 s30, s8;
	_ =	swait.ge [sflag:s24], $0x800  }
.Ltmp1:
0x1b: {  	[sflag:s24] =	ssyncset.done $0x0;
	(pc) =	sbr.rel @!p0 .LBB2_5-.Ltmp1, $4  }
0x1c: {  	[sflag:s24] =	ssyncadd.s32 $0xFFFFF800  }
0x1d: {  	_ =	swait.ge [sflag:s29], $0x800  }
0x1e: {  	[sflag:s29] =	ssyncset.done $0x0  }
0x1f: {  	[sflag:s29] =	ssyncadd.s32 $0xFFFFF800  }
.LBB2_1:
0x20: {  	s2 =	simm.s32 $0x0;
	s3 =	rddreg [dreg:$0x5]  }
0x21: {  	[tilespmem:s2], [sflag:$0x9] =	stream.linear.gather [hbm4b:s3+s2], $0x6400, $0x38;
	[tilespmem:$0x1E400] =	vst v63  }
0x22: {  	_ =	swait.ge [sflag:s11], $0x6400  }
0x23: {  	[sflag:s11] =	ssyncset.done $0x0  }
0x24: {  	s13 =	simm.s32 $0x6400;
	[sflag:s11] =	ssyncadd.s32 $0xFFFF9C00  }
0x25: {  	[tilespmem:s13], [sflag:$0x1] =	stream.indirect.gather [hbm4b:s1+s12], $0x80, s2, s12, $0xb8;
	[tilespmem:$0x1E400] =	vst v63  }
0x26: {  	_ = 	snop  }
0x27: {  	[tilespmem:s14], [sflag:$0x2] =	stream.indirect.gather [hbm4b:s1+s12], $0x80, s12, s12, $0xb8;
	[tilespmem:$0x1E400] =	vst v63  }
0x28: {  	s15 =	simm.s32 $0x100;
	s31 =	simm.s32 $0x300;
	s2 =	simm.s32 $0x0  }
0x29: {  	[tilespmem:s16], [sflag:$0x3] =	stream.indirect.gather [hbm4b:s1+s12], $0x80, s15, s12, $0xb8;
	[tilespmem:$0x1E400] =	vst v63  }
.LBB2_2:
0x2a: {  	_ =	swait.ge [sflag:s17], $0x4000  }
0x2b: {  	p0 =	sne.s32 s2, $0x0;
	[sflag:s17] =	ssyncset.done $0x0  }
0x2c: {  	s13 =	simm.s32 @p0 $0x7;
	[sflag:s17] =	ssyncadd.s32 $0xFFFFC000  }
0x2d: {  	_ =	swait.ge @p0 [sflag:s13], $0x800  }
0x2e: {  	[sflag:s13] =	ssyncset.done @p0 $0x0  }
0x2f: {  	[sflag:s13] =	ssyncadd.s32 @p0 $0xFFFFF800;
	s13 =	simm.s32 @p0 $0x6400  }
0x30: {  	[spmem:s5] =	stream.linear.scatter @p0 [tilespmem:s13], [sflag:$0x5], $0x4000, $0x38;
	[tilespmem:$0x1E400] =	vst v63  }
0x31: {  	s13 =	simm.s32 @p0 $0x6  }
0x32: {  	_ =	swait.ge @p0 [sflag:s13], $0x4000  }
0x33: {  	[sflag:s13] =	ssyncset.done @p0 $0x0  }
0x34: {  	s15 =	sshll.u32 @p0 s0, $0x6;
	[sflag:s13] =	ssyncadd.s32 @p0 $0xFFFFC000;
	s13 =	sadd.s32 @p0 s2, s9  }
0x35: {  	s3 =	sshrl.u32 @p0 s6, $0x3;
	s15 =	sor.u32 @p0 $0x1C08, s15;
	s13 =	sadd.s32 @p0 $0xFFFFF800, s13  }
0x36: {  	[hbm:s13], [sflag:s15] =	dma.local @p0 [spmem:s3], $0x800  }
0x37: {  	s3 =	simm.s32 @!p0 $0x6400  }
0x38: {  	[spmem:s5] =	stream.linear.scatter @!p0 [tilespmem:s3], [sflag:$0x5], $0x4000, $0x38;
	[tilespmem:$0x1E400] =	vst v63  }
0x39: {  	s13 =	sadd.s32 $0xFFFFFE80, s31  }
0x3a: {  	[tilespmem:s18], [sflag:$0x4] =	stream.indirect.gather [hbm4b:s1+s12], $0x80, s13, s12, $0xb8;
	[tilespmem:$0x1E400] =	vst v63  }
0x3b: {  	_ =	swait.ge [sflag:s19], $0x4000  }
0x3c: {  	p0 =	seq.s32 s2, $0x0;
	[sflag:s19] =	ssyncset.done $0x0  }
0x3d: {  	s3 =	simm.s32 @!p0 $0x8;
	[sflag:s19] =	ssyncadd.s32 $0xFFFFC000  }
0x3e: {  	_ =	swait.ge @!p0 [sflag:s3], $0x800  }
0x3f: {  	[sflag:s3] =	ssyncset.done @!p0 $0x0  }
0x40: {  	[sflag:s3] =	ssyncadd.s32 @!p0 $0xFFFFF800  }
0x41: {  	[spmem:s6] =	stream.linear.scatter [tilespmem:s14], [sflag:$0x6], $0x4000, $0x38;
	[tilespmem:$0x1E400] =	vst v63  }
0x42: {  	_ =	swait.ge [sflag:s20], $0x4000  }
0x43: {  	[sflag:s20] =	ssyncset.done $0x0  }
0x44: {  	s15 =	sadd.s32 s2, s10;
	p0 =	seq.s32 s2, $0x62000;
	[sflag:s20] =	ssyncadd.s32 $0xFFFFC000  }
0x45: {  	[hbm:s15], [sflag:s21] =	dma.local [spmem:s22], $0x800  }
0x46: {  	s3 =	sadd.s32 @!p0 $0xFFFFFF00, s31;
	s13 =	simm.s32 @!p0 $0x6400;
	s15 =	simm.s32 @!p0 $0x80  }
0x47: {  	[tilespmem:s13], [sflag:$0x1] =	stream.indirect.gather @!p0 [hbm4b:s1+s15], $0x80, s3, s15, $0xb8;
	[tilespmem:$0x1E400] =	vst v63  }
0x48: {  	_ =	swait.ge [sflag:s23], $0x4000  }
0x49: {  	[sflag:s23] =	ssyncset.done $0x0  }
0x4a: {  	[sflag:s23] =	ssyncadd.s32 $0xFFFFC000  }
0x4b: {  	_ =	swait.ge [sflag:s24], $0x800  }
0x4c: {  	[sflag:s24] =	ssyncset.done $0x0  }
0x4d: {  	[sflag:s24] =	ssyncadd.s32 $0xFFFFF800  }
0x4e: {  	[spmem:s5] =	stream.linear.scatter [tilespmem:s16], [sflag:$0x5], $0x4000, $0x38;
	[tilespmem:$0x1E400] =	vst v63  }
0x4f: {  	_ =	swait.ge [sflag:s26], $0x4000  }
0x50: {  	s3 =	sadd.s32 s2, s9;
	[sflag:s26] =	ssyncset.done $0x0  }
0x51: {  	s13 =	sshrl.u32 s6, $0x3;
	s4 =	sadd.s32 $0x800, s3;
	[sflag:s26] =	ssyncadd.s32 $0xFFFFC000  }
0x52: {  	[hbm:s4], [sflag:s25] =	dma.local [spmem:s13], $0x800  }
0x53: {  	s7 =	simm.s32 @!p0 $0xA400;
	s4 =	sadd.s32 @!p0 $0xFFFFFF80, s31  }
0x54: {  	[tilespmem:s7], [sflag:$0x2] =	stream.indirect.gather @!p0 [hbm4b:s1+s15], $0x80, s4, s15, $0xb8;
	[tilespmem:$0x1E400] =	vst v63  }
0x55: {  	_ =	swait.ge [sflag:s28], $0x4000  }
0x56: {  	[sflag:s28] =	ssyncset.done $0x0  }
0x57: {  	[sflag:s28] =	ssyncadd.s32 $0xFFFFC000  }
0x58: {  	_ =	swait.ge [sflag:s29], $0x800  }
0x59: {  	[sflag:s29] =	ssyncset.done $0x0  }
0x5a: {  	[sflag:s29] =	ssyncadd.s32 $0xFFFFF800  }
0x5b: {  	[spmem:s6] =	stream.linear.scatter [tilespmem:s18], [sflag:$0x6], $0x4000, $0x38;
	[tilespmem:$0x1E400] =	vst v63  }
.Ltmp2:
0x5c: {  	_ = 	snop;
	(pc) =	sbr.rel @p0 .LBB2_4-.Ltmp2, $4  }
0x5d: {  	_ =	swait.ge [sflag:s20], $0x4000  }
0x5e: {  	[sflag:s20] =	ssyncset.done $0x0  }
0x5f: {  	s3 =	sadd.s32 $0x1000, s3;
	[sflag:s20] =	ssyncadd.s32 $0xFFFFC000  }
0x60: {  	[hbm:s3], [sflag:s21] =	dma.local [spmem:s22], $0x800  }
.Ltmp3:
0x61: {  	(pc) =	sbr.rel .LBB2_2-.Ltmp3, $3  }
0x62: {  	_ =	sdelay $0x1  }
0x63: {  	[tilespmem:s16], [sflag:$0x3] =	stream.indirect.gather [hbm4b:s1+s12], $0x80, s31, s12, $0xb8;
	[tilespmem:$0x1E400] =	vst v63  }
0x64: {  	s2 =	sadd.s32 $0x2000, s2;
	s31 =	sadd.s32 $0x200, s31  }
.LBB2_5:
0x65: {  	_ =	sfence.sel $0x180000  }
0x66: {  	[bflag:$0x0] =	sbarrier.arrive $0xFFFF  }
0x67: {  	_ =	strace $0x90000047  }
0x68: {  	[bflag:$0x2] =	sbarrier.arrive $0xFFFF  }
0x69: {  	p0 =	sne.s32 s0, $0x0;
	s0 =	rddreg [dreg:$0x4]  }
0x6a: {  	s0 =	sadd.s32 @!p0 $0x100000, s0  }
0x6b: {  	[sflag:s0] =	ssyncadd.tile.s32 @!p0 $0x1;
	_ =	shalt  }
.Lfunc_end2:
_tile_overlayer_lowered:
.L_overlay_start_2:
0x6c: {  	(tag) =	ssettag $0x2  }
0x6d: {  	s0 =	rddreg [dreg:$0x0];
	s2 =	stileid.u32  }
0x6e: {  	s1 =	rddreg [dreg:$0x1];
	p0 =	sne.s32 s2, $0x0  }
0x6f: {  	s3 =	rddreg [dreg:$0x2];
	[bflag:$0x3] =	sbarrier.arrive $0xFFFF;
	s2 =	simm.s32 @!p0 $0x1C09  }
0x70: {  	[timem:s3], [sflag:s2] =	dma.local @!p0 [hbm:s0], s1  }
0x71: {  	s0 =	simm.s32 @!p0 $0x9  }
0x72: {  	_ =	swait.ge @!p0 [sflag:s0], s1  }
0x73: {  	s1 =	ssub.s32 @!p0 $0x0, s1;
	[sflag:s0] =	ssyncset.done @!p0 $0x0  }
0x74: {  	[sflag:s0] =	ssyncadd.s32 @!p0 s1  }
0x75: {  	[bflag:$0x3] =	sbarrier.arrive $0xFFFF  }
0x76: {  	_ =	shalt  }

</sc_bundles>
